<compile_context>
chip_gen: v7x
topology: tpu7x:2x2x1
jax: 0.10.2.dev20260603
libtpu: 0.0.44.dev20260713+nightly
codegen_flags: <defaults>
</compile_context>

<pallas_src>
import functools

import jax
import jax.numpy as jnp
from jax import lax
from jax.experimental import pallas as pl
from jax.experimental.pallas import tpu as pltpu
from jax.experimental.pallas import tpu_sc as plsc

_NC, _NS, _L = 2, 16, 16
_NW = _NC * _NS

_CHUNK = 1024
_SUB = 128
_NPAD = 100096
_FBLK = 4352


def _sc_gather_half(table_h, fl3, h, C):
    P_h = 2 * _NPAD
    span = P_h // _NW
    n_chunks = -(-span // _CHUNK)
    nblk_total = fl3.shape[0] // 4
    roff = h * table_h.shape[0]

    mesh = plsc.VectorSubcoreMesh(core_axis_name="c", subcore_axis_name="s")

    @functools.partial(
        pl.kernel,
        out_type=jax.ShapeDtypeStruct((P_h, C), jnp.float32),
        mesh=mesh,
        compiler_params=pltpu.CompilerParams(
            needs_layout_passes=False, use_tc_tiling_on_sc=False
        ),
        scratch_types=[
            pltpu.VMEM((20, 128), jnp.int32),
            pltpu.VMEM((_CHUNK,), jnp.int32),
            pltpu.VMEM((_CHUNK, C), jnp.float32),
            pltpu.SemaphoreType.DMA,
        ],
    )
    def k(table_hbm, idx_hbm, out_hbm, win, fvm, rows, sem):
        w = lax.axis_index("s") * _NC + lax.axis_index("c")
        p0w = w * span
        lane = lax.iota(jnp.int32, _L)

        def chunk_body(c, carry):
            base = p0w + jnp.minimum(c * _CHUNK, span - _CHUNK)
            n0 = base // 2
            wblk = jnp.minimum(n0 // 128, nblk_total - 5)
            pltpu.sync_copy(idx_hbm.at[pl.ds(wblk * 4, 20)], win)

            def grp(g, carry2):
                j = g * _L + lane
                n = n0 + (j >> 1)
                rowi = ((n >> 7) - wblk) * 4 + (2 * h + (j & 1))
                fvm[pl.ds(g * _L, _L)] = jnp.maximum(
                    plsc.load_gather(win, [rowi, n & 127]) - roff, 0
                )
                return carry2

            lax.fori_loop(0, _CHUNK // _L, grp, 0)

            descs = [
                pltpu.async_copy(
                    table_hbm.at[fvm.at[pl.ds(kk * _SUB, _SUB)]],
                    rows.at[pl.ds(kk * _SUB, _SUB)],
                    sem,
                )
                for kk in range(_CHUNK // _SUB)
            ]
            for d in descs:
                d.wait()
            pltpu.sync_copy(rows, out_hbm.at[pl.ds(base, _CHUNK)])
            return carry

        lax.fori_loop(0, n_chunks, chunk_body, 0)

    return k(table_h, fl3)


def _fmt_body0(x_ref, o_ref):
    C = o_ref.shape[2]
    xT = x_ref[...].T
    o_ref[0, 0] = xT[0:C, :]
    o_ref[0, 1] = xT[C : 2 * C, :]


def _fmt_body1(x_ref, prev_ref, o_ref):
    del prev_ref
    _fmt_body0(x_ref, o_ref)


def _format0(pairs, C):
    nj = _NPAD // _FBLK
    return pl.pallas_call(
        _fmt_body0,
        grid=(nj,),
        in_specs=[pl.BlockSpec((_FBLK, 2 * C), lambda j: (j, 0))],
        out_specs=pl.BlockSpec((1, 2, C, _FBLK), lambda j: (0, 0, 0, j)),
        out_shape=jax.ShapeDtypeStruct((2, 2, C, _NPAD), jnp.float32),
    )(pairs)


def _format1(pairs, prev, C):
    nj = _NPAD // _FBLK
    return pl.pallas_call(
        _fmt_body1,
        grid=(nj,),
        in_specs=[
            pl.BlockSpec((_FBLK, 2 * C), lambda j: (j, 0)),
            pl.BlockSpec(memory_space=pl.ANY),
        ],
        out_specs=pl.BlockSpec((1, 2, C, _FBLK), lambda j: (1, 0, 0, j)),
        out_shape=jax.ShapeDtypeStruct((2, 2, C, _NPAD), jnp.float32),
        input_output_aliases={1: 0},
    )(pairs, prev)


def kernel(voxel_features, voxel_coords, num_points):
    B, C, D, H, W = voxel_features.shape
    N = voxel_coords.shape[1]
    V = D * H * W
    tableT = (
        voxel_features.reshape(B, C, V).transpose(0, 2, 1).reshape(B * V, C)
    )
    c32 = voxel_coords.astype(jnp.int32)
    fl = (
        c32[..., 0] * (H * W)
        + c32[..., 1] * W
        + c32[..., 2]
        + (jnp.arange(B, dtype=jnp.int32) * V)[:, None]
    )
    flp = jnp.pad(fl, ((0, 0), (0, _NPAD - N)))
    fl3 = (
        flp.reshape(B, _NPAD // 128, 128)
        .transpose(1, 0, 2)
        .reshape(B * (_NPAD // 128), 128)
    )
    t0 = tableT[0 : 2 * V]
    t1 = tableT[2 * V : 4 * V]
    out0 = _sc_gather_half(t0, fl3, 0, C)
    p0 = out0.reshape(_NPAD, 2 * C)
    out1 = _sc_gather_half(t1, fl3, 1, C)
    p1 = out1.reshape(_NPAD, 2 * C)
    acc = _format0(p0, C)
    outc = _format1(p1, acc, C)
    return outc[:, :, :, :N].reshape(B, C, N).transpose(0, 2, 1)

# --- scband reference (transcript-rebuilt; emitter-appended) ---
"""Pipeline reference for scband-voxel-to-point-71116068488049 (READ-ONLY COPY).

The authoritative reference and input builder live on the scoring server;
editing this copy changes nothing except your own understanding.
"""

import jax, jax.numpy as jnp
import numpy as np


def setup_inputs(seed: int = 0) -> dict:
    key = jax.random.key(seed)
    k1, k2 = jax.random.split(key)
    voxel_features = jax.random.normal(k1, (4, 64, 40, 40, 40), dtype=jnp.float32)
    voxel_coords = jax.random.randint(k2, (4, 100000, 3), 0, 40, dtype=jnp.int64)
    return {
        "voxel_features": voxel_features,
        "voxel_coords": voxel_coords,
        "num_points": 100000,
    }


def reference(voxel_features, voxel_coords, num_points):
    # voxel_features: (B, C, D, H, W); voxel_coords: (B, N, 3) int
    B, C, D, H, W = voxel_features.shape
    N = voxel_coords.shape[1]
    coords = voxel_coords
    x = coords[..., 0]
    y = coords[..., 1]
    z = coords[..., 2]
    # faithful to torch: only write features when coords are within bounds,
    # otherwise the point feature stays zero
    in_range = jnp.arange(N) < num_points
    valid = (x < D) & (y < H) & (z < W) & in_range[None, :]
    flat_idx = x * (H * W) + y * W + z
    flat_idx = jnp.where(valid, flat_idx, 0)
    vf = voxel_features.reshape(B, C, D * H * W)
    # gather: (B, C, N)
    gathered = jnp.take_along_axis(vf, flat_idx[:, None, :], axis=2)
    point_features = jnp.transpose(gathered, (0, 2, 1))  # (B, N, C)
    point_features = jnp.where(valid[..., None], point_features, 0.0)
    return point_features

if __name__ == "__main__":
    import jax
    _d = setup_inputs()
    print(jax.jit(kernel)(*tuple(_d.values())))

</pallas_src>

<mosaic_0001>
#map = affine_map<(d0, d1) -> (0, 0)>
module attributes {stable_mosaic.version = 14 : i64} {
  func.func @k(%arg0: i32, %arg1: i32, %arg2: memref<128000x64xf32, #tpu.memory_space<hbm>>, %arg3: memref<3128x128xi32, #tpu.memory_space<hbm>>, %arg4: memref<200192x64xf32, #tpu.memory_space<hbm>>, %arg5: memref<20x128xi32, #tpu.memory_space<vmem>>, %arg6: memref<1024xi32, #tpu.memory_space<vmem>>, %arg7: memref<1024x64xf32, #tpu.memory_space<vmem>>, %arg8: memref<!tpu.dma_semaphore, #tpu.memory_space<semaphore_mem>>) attributes {dimension_semantics = [#tpu.dimension_semantics<core_parallel>, #tpu.dimension_semantics<subcore_parallel>], iteration_bounds = array<i64: 2, 16>, scalar_prefetch = 0 : i64, scratch_operands = 4 : i64, tpu.core_type = #tpu.core_type<sc_vector_subcore>, window_params = [{transform_indices = #map}, {transform_indices = #map}, {transform_indices = #map}]} {
    %mul3A = arith.constant 2 : i32
    %mul3A_0 = arith.muli %arg1, %mul3A : i32
    %add3A = arith.addi %mul3A_0, %arg0 : i32
    %mul3A_1 = arith.constant 6256 : i32
    %mul3A_2 = arith.muli %add3A, %mul3A_1 : i32
    %iota3A = tpu.iota {dimensions = array<i32: 0>} : vector<16xi32>
    %scan3A = arith.constant 0 : i32
    %scan3A_3 = arith.constant 0 : i32
    %scan3A_4 = arith.constant 7 : i32
    %scan3A_5 = arith.addi %scan3A_3, %scan3A_4 : i32
    %scan3A_6 = arith.constant 1 : i32
    scf.for %scan3A_8 = %scan3A_3 to %scan3A_5 step %scan3A_6  : i32 {
      %mul3A_9 = arith.constant 1024 : i32
      %mul3A_10 = arith.muli %scan3A_8, %mul3A_9 : i32
      %min3A = arith.constant 5232 : i32
      %min3A_11 = arith.minsi %mul3A_10, %min3A : i32
      %add3A_12 = arith.addi %mul3A_2, %min3A_11 : i32
      %jit3A = arith.constant 2 : i32
      %div3A = arith.divsi %add3A_12, %jit3A : i32
      %sign3A = arith.constant 0 : i32
      %sign3A_13 = arith.cmpi sgt, %add3A_12, %sign3A : i32
      %sign3A_14 = arith.extui %sign3A_13 : i1 to i32
      %sign3A_15 = arith.constant 0 : i32
      %sign3A_16 = arith.cmpi slt, %add3A_12, %sign3A_15 : i32
      %sign3A_17 = arith.extui %sign3A_16 : i1 to i32
      %sign3A_18 = arith.subi %sign3A_14, %sign3A_17 : i32
      %sign3A_19 = arith.constant 0 : i32
      %sign3A_20 = arith.cmpi sgt, %jit3A, %sign3A_19 : i32
      %sign3A_21 = arith.extui %sign3A_20 : i1 to i32
      %sign3A_22 = arith.constant 0 : i32
      %sign3A_23 = arith.cmpi slt, %jit3A, %sign3A_22 : i32
      %sign3A_24 = arith.extui %sign3A_23 : i1 to i32
      %sign3A_25 = arith.subi %sign3A_21, %sign3A_24 : i32
      %ne3A = arith.cmpi ne, %sign3A_18, %sign3A_25 : i32
      %rem3A = arith.remsi %add3A_12, %jit3A : i32
      %ne3A_26 = arith.constant 0 : i32
      %ne3A_27 = arith.cmpi ne, %rem3A, %ne3A_26 : i32
      %and3A = arith.andi %ne3A, %ne3A_27 : i1
      %sub3A = arith.constant 1 : i32
      %sub3A_28 = arith.subi %div3A, %sub3A : i32
      %select_n3A = arith.select %and3A, %sub3A_28, %div3A : i32
      %jit3A_29 = arith.constant 128 : i32
      %div3A_30 = arith.divsi %select_n3A, %jit3A_29 : i32
      %sign3A_31 = arith.constant 0 : i32
      %sign3A_32 = arith.cmpi sgt, %select_n3A, %sign3A_31 : i32
      %sign3A_33 = arith.extui %sign3A_32 : i1 to i32
      %sign3A_34 = arith.constant 0 : i32
      %sign3A_35 = arith.cmpi slt, %select_n3A, %sign3A_34 : i32
      %sign3A_36 = arith.extui %sign3A_35 : i1 to i32
      %sign3A_37 = arith.subi %sign3A_33, %sign3A_36 : i32
      %sign3A_38 = arith.constant 0 : i32
      %sign3A_39 = arith.cmpi sgt, %jit3A_29, %sign3A_38 : i32
      %sign3A_40 = arith.extui %sign3A_39 : i1 to i32
      %sign3A_41 = arith.constant 0 : i32
      %sign3A_42 = arith.cmpi slt, %jit3A_29, %sign3A_41 : i32
      %sign3A_43 = arith.extui %sign3A_42 : i1 to i32
      %sign3A_44 = arith.subi %sign3A_40, %sign3A_43 : i32
      %ne3A_45 = arith.cmpi ne, %sign3A_37, %sign3A_44 : i32
      %rem3A_46 = arith.remsi %select_n3A, %jit3A_29 : i32
      %ne3A_47 = arith.constant 0 : i32
      %ne3A_48 = arith.cmpi ne, %rem3A_46, %ne3A_47 : i32
      %and3A_49 = arith.andi %ne3A_45, %ne3A_48 : i1
      %sub3A_50 = arith.constant 1 : i32
      %sub3A_51 = arith.subi %div3A_30, %sub3A_50 : i32
      %select_n3A_52 = arith.select %and3A_49, %sub3A_51, %div3A_30 : i32
      %min3A_53 = arith.constant 777 : i32
      %min3A_54 = arith.minsi %select_n3A_52, %min3A_53 : i32
      %mul3A_55 = arith.constant 4 : i32
      %mul3A_56 = arith.muli %min3A_54, %mul3A_55 : i32
      "tpu.region"() ({
        %run_scoped3A = tpu.sem_alloc : memref<!tpu.dma_semaphore, #tpu.memory_space<semaphore_mem>>
        %dma_start3A_189 = arith.constant 0 : i32
        %dma_start3A_190 = tpu.memref_slice %arg3[%mul3A_56, %dma_start3A_189] : memref<3128x128xi32, #tpu.memory_space<hbm>> -> memref<20x128xi32, #tpu.memory_space<hbm>>
        %dma_start3A_191 = arith.constant 0 : i32
        %dma_start3A_192 = tpu.memref_slice %arg3[%mul3A_56, %dma_start3A_191] : memref<3128x128xi32, #tpu.memory_space<hbm>> -> memref<20x128xi32, #tpu.memory_space<hbm>>
        tpu.enqueue_dma source(%dma_start3A_192 : memref<20x128xi32, #tpu.memory_space<hbm>>) target(%arg5 : memref<20x128xi32, #tpu.memory_space<vmem>>) target_semaphore(%run_scoped3A : memref<!tpu.dma_semaphore, #tpu.memory_space<semaphore_mem>>)
        %dma_wait3A_193 = arith.constant 0 : i32
        %dma_wait3A_194 = tpu.memref_slice %arg3[%mul3A_56, %dma_wait3A_193] : memref<3128x128xi32, #tpu.memory_space<hbm>> -> memref<20x128xi32, #tpu.memory_space<hbm>>
        %dma_wait3A_195 = arith.constant 0 : i32
        %dma_wait3A_196 = tpu.memref_slice %arg3[%mul3A_56, %dma_wait3A_195] : memref<3128x128xi32, #tpu.memory_space<hbm>> -> memref<20x128xi32, #tpu.memory_space<hbm>>
        tpu.wait_dma2 semaphore(%run_scoped3A : memref<!tpu.dma_semaphore, #tpu.memory_space<semaphore_mem>>) src(%dma_wait3A_196 : memref<20x128xi32, #tpu.memory_space<hbm>>) dst(%arg5 : memref<20x128xi32, #tpu.memory_space<vmem>>)
        tpu.yield
      }) : () -> ()
      %scan3A_57 = arith.constant 0 : i32
      %scan3A_58 = arith.constant 0 : i32
      %scan3A_59 = arith.constant 64 : i32
      %scan3A_60 = arith.addi %scan3A_58, %scan3A_59 : i32
      %scan3A_61 = arith.constant 1 : i32
      scf.for %scan3A_189 = %scan3A_58 to %scan3A_60 step %scan3A_61  : i32 {
        %mul3A_190 = arith.constant 16 : i32
        %mul3A_191 = arith.muli %scan3A_189, %mul3A_190 : i32
        %add3A_192 = vector.broadcast %mul3A_191 : i32 to vector<16xi32>
        %add3A_193 = arith.addi %add3A_192, %iota3A : vector<16xi32>
        %shift_right_arithmetic3A = arith.constant 1 : i32
        %shift_right_arithmetic3A_194 = vector.broadcast %shift_right_arithmetic3A : i32 to vector<16xi32>
        %shift_right_arithmetic3A_195 = arith.shrsi %add3A_193, %shift_right_arithmetic3A_194 : vector<16xi32>
        %add3A_196 = vector.broadcast %select_n3A : i32 to vector<16xi32>
        %add3A_197 = arith.addi %add3A_196, %shift_right_arithmetic3A_195 : vector<16xi32>
        %shift_right_arithmetic3A_198 = arith.constant 7 : i32
        %shift_right_arithmetic3A_199 = vector.broadcast %shift_right_arithmetic3A_198 : i32 to vector<16xi32>
        %shift_right_arithmetic3A_200 = arith.shrsi %add3A_197, %shift_right_arithmetic3A_199 : vector<16xi32>
        %sub3A_201 = vector.broadcast %min3A_54 : i32 to vector<16xi32>
        %sub3A_202 = arith.subi %shift_right_arithmetic3A_200, %sub3A_201 : vector<16xi32>
        %mul3A_203 = arith.constant 4 : i32
        %mul3A_204 = vector.broadcast %mul3A_203 : i32 to vector<16xi32>
        %mul3A_205 = arith.muli %sub3A_202, %mul3A_204 : vector<16xi32>
        %and3A_206 = arith.constant 1 : i32
        %and3A_207 = vector.broadcast %and3A_206 : i32 to vector<16xi32>
        %and3A_208 = arith.andi %add3A_193, %and3A_207 : vector<16xi32>
        %add3A_209 = arith.constant 0 : i32
        %add3A_210 = vector.broadcast %add3A_209 : i32 to vector<16xi32>
        %add3A_211 = arith.addi %add3A_210, %and3A_208 : vector<16xi32>
        %add3A_212 = arith.addi %mul3A_205, %add3A_211 : vector<16xi32>
        %and3A_213 = arith.constant 127 : i32
        %and3A_214 = vector.broadcast %and3A_213 : i32 to vector<16xi32>
        %and3A_215 = arith.andi %add3A_197, %and3A_214 : vector<16xi32>
        %gather3A = tpu.vector_load_idx %arg5[%add3A_212, %and3A_215] : memref<20x128xi32, #tpu.memory_space<vmem>>[vector<16xi32>, vector<16xi32>], vector<16xi32>,
        %sub3A_216 = arith.constant 0 : i32
        %sub3A_217 = vector.broadcast %sub3A_216 : i32 to vector<16xi32>
        %sub3A_218 = arith.subi %gather3A, %sub3A_217 : vector<16xi32>
        %max3A = arith.constant 0 : i32
        %max3A_219 = vector.broadcast %max3A : i32 to vector<16xi32>
        %max3A_220 = arith.maxsi %sub3A_218, %max3A_219 : vector<16xi32>
        %mul3A_221 = arith.constant 16 : i32
        %mul3A_222 = arith.muli %scan3A_189, %mul3A_221 : i32
        %swap3A = arith.index_cast %mul3A_222 : i32 to index
        %swap3A_223 = tpu.vector_load %arg6[%swap3A] {strides = array<i32>} : memref<1024xi32, #tpu.memory_space<vmem>>, vector<16xi32>,
        tpu.vector_store %arg6[%swap3A], %max3A_220 {strides = array<i32>} : memref<1024xi32, #tpu.memory_space<vmem>>, vector<16xi32>,
      }
      %scan3A_62 = arith.constant 64 : i32
      %dma_start3A = arith.constant 0 : i32
      %dma_start3A_63 = arith.constant 0 : i32
      %dma_start3A_64 = tpu.memref_slice %arg7[%dma_start3A, %dma_start3A_63] : memref<1024x64xf32, #tpu.memory_space<vmem>> -> memref<128x64xf32, #tpu.memory_space<vmem>>
      %dma_start3A_65 = arith.constant 0 : i32
      %dma_start3A_66 = tpu.memref_slice %arg6[%dma_start3A_65] : memref<1024xi32, #tpu.memory_space<vmem>> -> memref<128xi32, #tpu.memory_space<vmem>>
      %dma_start3A_67 = arith.constant 0 : i32
      %dma_start3A_68 = arith.constant 0 : i32
      %dma_start3A_69 = tpu.memref_slice %arg2[%dma_start3A_67, %dma_start3A_68] : memref<128000x64xf32, #tpu.memory_space<hbm>> -> memref<128000x64xf32, #tpu.memory_space<hbm>>
      tpu.enqueue_indirect_dma source(%dma_start3A_69 : memref<128000x64xf32, #tpu.memory_space<hbm>>) target(%dma_start3A_64 : memref<128x64xf32, #tpu.memory_space<vmem>>) offsets(%dma_start3A_66 : memref<128xi32, #tpu.memory_space<vmem>>) semaphore(%arg8 : memref<!tpu.dma_semaphore, #tpu.memory_space<semaphore_mem>>)
      %dma_start3A_70 = arith.constant 128 : i32
      %dma_start3A_71 = arith.constant 0 : i32
      %dma_start3A_72 = tpu.memref_slice %arg7[%dma_start3A_70, %dma_start3A_71] : memref<1024x64xf32, #tpu.memory_space<vmem>> -> memref<128x64xf32, #tpu.memory_space<vmem>>
      %dma_start3A_73 = arith.constant 128 : i32
      %dma_start3A_74 = tpu.memref_slice %arg6[%dma_start3A_73] : memref<1024xi32, #tpu.memory_space<vmem>> -> memref<128xi32, #tpu.memory_space<vmem>>
      %dma_start3A_75 = arith.constant 0 : i32
      %dma_start3A_76 = arith.constant 0 : i32
      %dma_start3A_77 = tpu.memref_slice %arg2[%dma_start3A_75, %dma_start3A_76] : memref<128000x64xf32, #tpu.memory_space<hbm>> -> memref<128000x64xf32, #tpu.memory_space<hbm>>
      tpu.enqueue_indirect_dma source(%dma_start3A_77 : memref<128000x64xf32, #tpu.memory_space<hbm>>) target(%dma_start3A_72 : memref<128x64xf32, #tpu.memory_space<vmem>>) offsets(%dma_start3A_74 : memref<128xi32, #tpu.memory_space<vmem>>) semaphore(%arg8 : memref<!tpu.dma_semaphore, #tpu.memory_space<semaphore_mem>>)
      %dma_start3A_78 = arith.constant 256 : i32
      %dma_start3A_79 = arith.constant 0 : i32
      %dma_start3A_80 = tpu.memref_slice %arg7[%dma_start3A_78, %dma_start3A_79] : memref<1024x64xf32, #tpu.memory_space<vmem>> -> memref<128x64xf32, #tpu.memory_space<vmem>>
      %dma_start3A_81 = arith.constant 256 : i32
      %dma_start3A_82 = tpu.memref_slice %arg6[%dma_start3A_81] : memref<1024xi32, #tpu.memory_space<vmem>> -> memref<128xi32, #tpu.memory_space<vmem>>
      %dma_start3A_83 = arith.constant 0 : i32
      %dma_start3A_84 = arith.constant 0 : i32
      %dma_start3A_85 = tpu.memref_slice %arg2[%dma_start3A_83, %dma_start3A_84] : memref<128000x64xf32, #tpu.memory_space<hbm>> -> memref<128000x64xf32, #tpu.memory_space<hbm>>
      tpu.enqueue_indirect_dma source(%dma_start3A_85 : memref<128000x64xf32, #tpu.memory_space<hbm>>) target(%dma_start3A_80 : memref<128x64xf32, #tpu.memory_space<vmem>>) offsets(%dma_start3A_82 : memref<128xi32, #tpu.memory_space<vmem>>) semaphore(%arg8 : memref<!tpu.dma_semaphore, #tpu.memory_space<semaphore_mem>>)
      %dma_start3A_86 = arith.constant 384 : i32
      %dma_start3A_87 = arith.constant 0 : i32
      %dma_start3A_88 = tpu.memref_slice %arg7[%dma_start3A_86, %dma_start3A_87] : memref<1024x64xf32, #tpu.memory_space<vmem>> -> memref<128x64xf32, #tpu.memory_space<vmem>>
      %dma_start3A_89 = arith.constant 384 : i32
      %dma_start3A_90 = tpu.memref_slice %arg6[%dma_start3A_89] : memref<1024xi32, #tpu.memory_space<vmem>> -> memref<128xi32, #tpu.memory_space<vmem>>
      %dma_start3A_91 = arith.constant 0 : i32
      %dma_start3A_92 = arith.constant 0 : i32
      %dma_start3A_93 = tpu.memref_slice %arg2[%dma_start3A_91, %dma_start3A_92] : memref<128000x64xf32, #tpu.memory_space<hbm>> -> memref<128000x64xf32, #tpu.memory_space<hbm>>
      tpu.enqueue_indirect_dma source(%dma_start3A_93 : memref<128000x64xf32, #tpu.memory_space<hbm>>) target(%dma_start3A_88 : memref<128x64xf32, #tpu.memory_space<vmem>>) offsets(%dma_start3A_90 : memref<128xi32, #tpu.memory_space<vmem>>) semaphore(%arg8 : memref<!tpu.dma_semaphore, #tpu.memory_space<semaphore_mem>>)
      %dma_start3A_94 = arith.constant 512 : i32
      %dma_start3A_95 = arith.constant 0 : i32
      %dma_start3A_96 = tpu.memref_slice %arg7[%dma_start3A_94, %dma_start3A_95] : memref<1024x64xf32, #tpu.memory_space<vmem>> -> memref<128x64xf32, #tpu.memory_space<vmem>>
      %dma_start3A_97 = arith.constant 512 : i32
      %dma_start3A_98 = tpu.memref_slice %arg6[%dma_start3A_97] : memref<1024xi32, #tpu.memory_space<vmem>> -> memref<128xi32, #tpu.memory_space<vmem>>
      %dma_start3A_99 = arith.constant 0 : i32
      %dma_start3A_100 = arith.constant 0 : i32
      %dma_start3A_101 = tpu.memref_slice %arg2[%dma_start3A_99, %dma_start3A_100] : memref<128000x64xf32, #tpu.memory_space<hbm>> -> memref<128000x64xf32, #tpu.memory_space<hbm>>
      tpu.enqueue_indirect_dma source(%dma_start3A_101 : memref<128000x64xf32, #tpu.memory_space<hbm>>) target(%dma_start3A_96 : memref<128x64xf32, #tpu.memory_space<vmem>>) offsets(%dma_start3A_98 : memref<128xi32, #tpu.memory_space<vmem>>) semaphore(%arg8 : memref<!tpu.dma_semaphore, #tpu.memory_space<semaphore_mem>>)
      %dma_start3A_102 = arith.constant 640 : i32
      %dma_start3A_103 = arith.constant 0 : i32
      %dma_start3A_104 = tpu.memref_slice %arg7[%dma_start3A_102, %dma_start3A_103] : memref<1024x64xf32, #tpu.memory_space<vmem>> -> memref<128x64xf32, #tpu.memory_space<vmem>>
      %dma_start3A_105 = arith.constant 640 : i32
      %dma_start3A_106 = tpu.memref_slice %arg6[%dma_start3A_105] : memref<1024xi32, #tpu.memory_space<vmem>> -> memref<128xi32, #tpu.memory_space<vmem>>
      %dma_start3A_107 = arith.constant 0 : i32
      %dma_start3A_108 = arith.constant 0 : i32
      %dma_start3A_109 = tpu.memref_slice %arg2[%dma_start3A_107, %dma_start3A_108] : memref<128000x64xf32, #tpu.memory_space<hbm>> -> memref<128000x64xf32, #tpu.memory_space<hbm>>
      tpu.enqueue_indirect_dma source(%dma_start3A_109 : memref<128000x64xf32, #tpu.memory_space<hbm>>) target(%dma_start3A_104 : memref<128x64xf32, #tpu.memory_space<vmem>>) offsets(%dma_start3A_106 : memref<128xi32, #tpu.memory_space<vmem>>) semaphore(%arg8 : memref<!tpu.dma_semaphore, #tpu.memory_space<semaphore_mem>>)
      %dma_start3A_110 = arith.constant 768 : i32
      %dma_start3A_111 = arith.constant 0 : i32
      %dma_start3A_112 = tpu.memref_slice %arg7[%dma_start3A_110, %dma_start3A_111] : memref<1024x64xf32, #tpu.memory_space<vmem>> -> memref<128x64xf32, #tpu.memory_space<vmem>>
      %dma_start3A_113 = arith.constant 768 : i32
      %dma_start3A_114 = tpu.memref_slice %arg6[%dma_start3A_113] : memref<1024xi32, #tpu.memory_space<vmem>> -> memref<128xi32, #tpu.memory_space<vmem>>
      %dma_start3A_115 = arith.constant 0 : i32
      %dma_start3A_116 = arith.constant 0 : i32
      %dma_start3A_117 = tpu.memref_slice %arg2[%dma_start3A_115, %dma_start3A_116] : memref<128000x64xf32, #tpu.memory_space<hbm>> -> memref<128000x64xf32, #tpu.memory_space<hbm>>
      tpu.enqueue_indirect_dma source(%dma_start3A_117 : memref<128000x64xf32, #tpu.memory_space<hbm>>) target(%dma_start3A_112 : memref<128x64xf32, #tpu.memory_space<vmem>>) offsets(%dma_start3A_114 : memref<128xi32, #tpu.memory_space<vmem>>) semaphore(%arg8 : memref<!tpu.dma_semaphore, #tpu.memory_space<semaphore_mem>>)
      %dma_start3A_118 = arith.constant 896 : i32
      %dma_start3A_119 = arith.constant 0 : i32
      %dma_start3A_120 = tpu.memref_slice %arg7[%dma_start3A_118, %dma_start3A_119] : memref<1024x64xf32, #tpu.memory_space<vmem>> -> memref<128x64xf32, #tpu.memory_space<vmem>>
      %dma_start3A_121 = arith.constant 896 : i32
      %dma_start3A_122 = tpu.memref_slice %arg6[%dma_start3A_121] : memref<1024xi32, #tpu.memory_space<vmem>> -> memref<128xi32, #tpu.memory_space<vmem>>
      %dma_start3A_123 = arith.constant 0 : i32
      %dma_start3A_124 = arith.constant 0 : i32
      %dma_start3A_125 = tpu.memref_slice %arg2[%dma_start3A_123, %dma_start3A_124] : memref<128000x64xf32, #tpu.memory_space<hbm>> -> memref<128000x64xf32, #tpu.memory_space<hbm>>
      tpu.enqueue_indirect_dma source(%dma_start3A_125 : memref<128000x64xf32, #tpu.memory_space<hbm>>) target(%dma_start3A_120 : memref<128x64xf32, #tpu.memory_space<vmem>>) offsets(%dma_start3A_122 : memref<128xi32, #tpu.memory_space<vmem>>) semaphore(%arg8 : memref<!tpu.dma_semaphore, #tpu.memory_space<semaphore_mem>>)
      %dma_wait3A = arith.constant 0 : i32
      %dma_wait3A_126 = arith.constant 0 : i32
      %dma_wait3A_127 = tpu.memref_slice %arg7[%dma_wait3A, %dma_wait3A_126] : memref<1024x64xf32, #tpu.memory_space<vmem>> -> memref<128x64xf32, #tpu.memory_space<vmem>>
      %dma_wait3A_128 = arith.constant 0 : i32
      %dma_wait3A_129 = tpu.memref_slice %arg6[%dma_wait3A_128] : memref<1024xi32, #tpu.memory_space<vmem>> -> memref<128xi32, #tpu.memory_space<vmem>>
      %dma_wait3A_130 = arith.constant 0 : i32
      %dma_wait3A_131 = arith.constant 0 : i32
      %dma_wait3A_132 = tpu.memref_slice %arg2[%dma_wait3A_130, %dma_wait3A_131] : memref<128000x64xf32, #tpu.memory_space<hbm>> -> memref<128000x64xf32, #tpu.memory_space<hbm>>
      tpu.wait_indirect_dma semaphore(%arg8 : memref<!tpu.dma_semaphore, #tpu.memory_space<semaphore_mem>>) src(%dma_wait3A_132 : memref<128000x64xf32, #tpu.memory_space<hbm>>) dst(%dma_wait3A_127 : memref<128x64xf32, #tpu.memory_space<vmem>>)
      %dma_wait3A_133 = arith.constant 128 : i32
      %dma_wait3A_134 = arith.constant 0 : i32
      %dma_wait3A_135 = tpu.memref_slice %arg7[%dma_wait3A_133, %dma_wait3A_134] : memref<1024x64xf32, #tpu.memory_space<vmem>> -> memref<128x64xf32, #tpu.memory_space<vmem>>
      %dma_wait3A_136 = arith.constant 128 : i32
      %dma_wait3A_137 = tpu.memref_slice %arg6[%dma_wait3A_136] : memref<1024xi32, #tpu.memory_space<vmem>> -> memref<128xi32, #tpu.memory_space<vmem>>
      %dma_wait3A_138 = arith.constant 0 : i32
      %dma_wait3A_139 = arith.constant 0 : i32
      %dma_wait3A_140 = tpu.memref_slice %arg2[%dma_wait3A_138, %dma_wait3A_139] : memref<128000x64xf32, #tpu.memory_space<hbm>> -> memref<128000x64xf32, #tpu.memory_space<hbm>>
      tpu.wait_indirect_dma semaphore(%arg8 : memref<!tpu.dma_semaphore, #tpu.memory_space<semaphore_mem>>) src(%dma_wait3A_140 : memref<128000x64xf32, #tpu.memory_space<hbm>>) dst(%dma_wait3A_135 : memref<128x64xf32, #tpu.memory_space<vmem>>)
      %dma_wait3A_141 = arith.constant 256 : i32
      %dma_wait3A_142 = arith.constant 0 : i32
      %dma_wait3A_143 = tpu.memref_slice %arg7[%dma_wait3A_141, %dma_wait3A_142] : memref<1024x64xf32, #tpu.memory_space<vmem>> -> memref<128x64xf32, #tpu.memory_space<vmem>>
      %dma_wait3A_144 = arith.constant 256 : i32
      %dma_wait3A_145 = tpu.memref_slice %arg6[%dma_wait3A_144] : memref<1024xi32, #tpu.memory_space<vmem>> -> memref<128xi32, #tpu.memory_space<vmem>>
      %dma_wait3A_146 = arith.constant 0 : i32
      %dma_wait3A_147 = arith.constant 0 : i32
      %dma_wait3A_148 = tpu.memref_slice %arg2[%dma_wait3A_146, %dma_wait3A_147] : memref<128000x64xf32, #tpu.memory_space<hbm>> -> memref<128000x64xf32, #tpu.memory_space<hbm>>
      tpu.wait_indirect_dma semaphore(%arg8 : memref<!tpu.dma_semaphore, #tpu.memory_space<semaphore_mem>>) src(%dma_wait3A_148 : memref<128000x64xf32, #tpu.memory_space<hbm>>) dst(%dma_wait3A_143 : memref<128x64xf32, #tpu.memory_space<vmem>>)
      %dma_wait3A_149 = arith.constant 384 : i32
      %dma_wait3A_150 = arith.constant 0 : i32
      %dma_wait3A_151 = tpu.memref_slice %arg7[%dma_wait3A_149, %dma_wait3A_150] : memref<1024x64xf32, #tpu.memory_space<vmem>> -> memref<128x64xf32, #tpu.memory_space<vmem>>
      %dma_wait3A_152 = arith.constant 384 : i32
      %dma_wait3A_153 = tpu.memref_slice %arg6[%dma_wait3A_152] : memref<1024xi32, #tpu.memory_space<vmem>> -> memref<128xi32, #tpu.memory_space<vmem>>
      %dma_wait3A_154 = arith.constant 0 : i32
      %dma_wait3A_155 = arith.constant 0 : i32
      %dma_wait3A_156 = tpu.memref_slice %arg2[%dma_wait3A_154, %dma_wait3A_155] : memref<128000x64xf32, #tpu.memory_space<hbm>> -> memref<128000x64xf32, #tpu.memory_space<hbm>>
      tpu.wait_indirect_dma semaphore(%arg8 : memref<!tpu.dma_semaphore, #tpu.memory_space<semaphore_mem>>) src(%dma_wait3A_156 : memref<128000x64xf32, #tpu.memory_space<hbm>>) dst(%dma_wait3A_151 : memref<128x64xf32, #tpu.memory_space<vmem>>)
      %dma_wait3A_157 = arith.constant 512 : i32
      %dma_wait3A_158 = arith.constant 0 : i32
      %dma_wait3A_159 = tpu.memref_slice %arg7[%dma_wait3A_157, %dma_wait3A_158] : memref<1024x64xf32, #tpu.memory_space<vmem>> -> memref<128x64xf32, #tpu.memory_space<vmem>>
      %dma_wait3A_160 = arith.constant 512 : i32
      %dma_wait3A_161 = tpu.memref_slice %arg6[%dma_wait3A_160] : memref<1024xi32, #tpu.memory_space<vmem>> -> memref<128xi32, #tpu.memory_space<vmem>>
      %dma_wait3A_162 = arith.constant 0 : i32
      %dma_wait3A_163 = arith.constant 0 : i32
      %dma_wait3A_164 = tpu.memref_slice %arg2[%dma_wait3A_162, %dma_wait3A_163] : memref<128000x64xf32, #tpu.memory_space<hbm>> -> memref<128000x64xf32, #tpu.memory_space<hbm>>
      tpu.wait_indirect_dma semaphore(%arg8 : memref<!tpu.dma_semaphore, #tpu.memory_space<semaphore_mem>>) src(%dma_wait3A_164 : memref<128000x64xf32, #tpu.memory_space<hbm>>) dst(%dma_wait3A_159 : memref<128x64xf32, #tpu.memory_space<vmem>>)
      %dma_wait3A_165 = arith.constant 640 : i32
      %dma_wait3A_166 = arith.constant 0 : i32
      %dma_wait3A_167 = tpu.memref_slice %arg7[%dma_wait3A_165, %dma_wait3A_166] : memref<1024x64xf32, #tpu.memory_space<vmem>> -> memref<128x64xf32, #tpu.memory_space<vmem>>
      %dma_wait3A_168 = arith.constant 640 : i32
      %dma_wait3A_169 = tpu.memref_slice %arg6[%dma_wait3A_168] : memref<1024xi32, #tpu.memory_space<vmem>> -> memref<128xi32, #tpu.memory_space<vmem>>
      %dma_wait3A_170 = arith.constant 0 : i32
      %dma_wait3A_171 = arith.constant 0 : i32
      %dma_wait3A_172 = tpu.memref_slice %arg2[%dma_wait3A_170, %dma_wait3A_171] : memref<128000x64xf32, #tpu.memory_space<hbm>> -> memref<128000x64xf32, #tpu.memory_space<hbm>>
      tpu.wait_indirect_dma semaphore(%arg8 : memref<!tpu.dma_semaphore, #tpu.memory_space<semaphore_mem>>) src(%dma_wait3A_172 : memref<128000x64xf32, #tpu.memory_space<hbm>>) dst(%dma_wait3A_167 : memref<128x64xf32, #tpu.memory_space<vmem>>)
      %dma_wait3A_173 = arith.constant 768 : i32
      %dma_wait3A_174 = arith.constant 0 : i32
      %dma_wait3A_175 = tpu.memref_slice %arg7[%dma_wait3A_173, %dma_wait3A_174] : memref<1024x64xf32, #tpu.memory_space<vmem>> -> memref<128x64xf32, #tpu.memory_space<vmem>>
      %dma_wait3A_176 = arith.constant 768 : i32
      %dma_wait3A_177 = tpu.memref_slice %arg6[%dma_wait3A_176] : memref<1024xi32, #tpu.memory_space<vmem>> -> memref<128xi32, #tpu.memory_space<vmem>>
      %dma_wait3A_178 = arith.constant 0 : i32
      %dma_wait3A_179 = arith.constant 0 : i32
      %dma_wait3A_180 = tpu.memref_slice %arg2[%dma_wait3A_178, %dma_wait3A_179] : memref<128000x64xf32, #tpu.memory_space<hbm>> -> memref<128000x64xf32, #tpu.memory_space<hbm>>
      tpu.wait_indirect_dma semaphore(%arg8 : memref<!tpu.dma_semaphore, #tpu.memory_space<semaphore_mem>>) src(%dma_wait3A_180 : memref<128000x64xf32, #tpu.memory_space<hbm>>) dst(%dma_wait3A_175 : memref<128x64xf32, #tpu.memory_space<vmem>>)
      %dma_wait3A_181 = arith.constant 896 : i32
      %dma_wait3A_182 = arith.constant 0 : i32
      %dma_wait3A_183 = tpu.memref_slice %arg7[%dma_wait3A_181, %dma_wait3A_182] : memref<1024x64xf32, #tpu.memory_space<vmem>> -> memref<128x64xf32, #tpu.memory_space<vmem>>
      %dma_wait3A_184 = arith.constant 896 : i32
      %dma_wait3A_185 = tpu.memref_slice %arg6[%dma_wait3A_184] : memref<1024xi32, #tpu.memory_space<vmem>> -> memref<128xi32, #tpu.memory_space<vmem>>
      %dma_wait3A_186 = arith.constant 0 : i32
      %dma_wait3A_187 = arith.constant 0 : i32
      %dma_wait3A_188 = tpu.memref_slice %arg2[%dma_wait3A_186, %dma_wait3A_187] : memref<128000x64xf32, #tpu.memory_space<hbm>> -> memref<128000x64xf32, #tpu.memory_space<hbm>>
      tpu.wait_indirect_dma semaphore(%arg8 : memref<!tpu.dma_semaphore, #tpu.memory_space<semaphore_mem>>) src(%dma_wait3A_188 : memref<128000x64xf32, #tpu.memory_space<hbm>>) dst(%dma_wait3A_183 : memref<128x64xf32, #tpu.memory_space<vmem>>)
      "tpu.region"() ({
        %run_scoped3A = tpu.sem_alloc : memref<!tpu.dma_semaphore, #tpu.memory_space<semaphore_mem>>
        %dma_start3A_189 = arith.constant 0 : i32
        %dma_start3A_190 = tpu.memref_slice %arg4[%add3A_12, %dma_start3A_189] : memref<200192x64xf32, #tpu.memory_space<hbm>> -> memref<1024x64xf32, #tpu.memory_space<hbm>>
        %dma_start3A_191 = arith.constant 0 : i32
        %dma_start3A_192 = tpu.memref_slice %arg4[%add3A_12, %dma_start3A_191] : memref<200192x64xf32, #tpu.memory_space<hbm>> -> memref<1024x64xf32, #tpu.memory_space<hbm>>
        tpu.enqueue_dma source(%arg7 : memref<1024x64xf32, #tpu.memory_space<vmem>>) target(%dma_start3A_192 : memref<1024x64xf32, #tpu.memory_space<hbm>>) target_semaphore(%run_scoped3A : memref<!tpu.dma_semaphore, #tpu.memory_space<semaphore_mem>>)
        %dma_wait3A_193 = arith.constant 0 : i32
        %dma_wait3A_194 = tpu.memref_slice %arg4[%add3A_12, %dma_wait3A_193] : memref<200192x64xf32, #tpu.memory_space<hbm>> -> memref<1024x64xf32, #tpu.memory_space<hbm>>
        %dma_wait3A_195 = arith.constant 0 : i32
        %dma_wait3A_196 = tpu.memref_slice %arg4[%add3A_12, %dma_wait3A_195] : memref<200192x64xf32, #tpu.memory_space<hbm>> -> memref<1024x64xf32, #tpu.memory_space<hbm>>
        tpu.wait_dma2 semaphore(%run_scoped3A : memref<!tpu.dma_semaphore, #tpu.memory_space<semaphore_mem>>) src(%arg7 : memref<1024x64xf32, #tpu.memory_space<vmem>>) dst(%dma_wait3A_196 : memref<1024x64xf32, #tpu.memory_space<hbm>>)
        tpu.yield
      }) : () -> ()
    }
    %scan3A_7 = arith.constant 7 : i32
    return
  }
}

#map = affine_map<(d0, d1) -> (0, 0)>
module attributes {stable_mosaic.version = 14 : i64} {
  func.func @k(%arg0: i32, %arg1: i32, %arg2: memref<128000x64xf32, #tpu.memory_space<hbm>>, %arg3: memref<3128x128xi32, #tpu.memory_space<hbm>>, %arg4: memref<200192x64xf32, #tpu.memory_space<hbm>>, %arg5: memref<20x128xi32, #tpu.memory_space<vmem>>, %arg6: memref<1024xi32, #tpu.memory_space<vmem>>, %arg7: memref<1024x64xf32, #tpu.memory_space<vmem>>, %arg8: memref<!tpu.dma_semaphore, #tpu.memory_space<semaphore_mem>>) attributes {dimension_semantics = [#tpu.dimension_semantics<core_parallel>, #tpu.dimension_semantics<subcore_parallel>], iteration_bounds = array<i64: 2, 16>, scalar_prefetch = 0 : i64, scratch_operands = 4 : i64, tpu.core_type = #tpu.core_type<sc_vector_subcore>, window_params = [{transform_indices = #map}, {transform_indices = #map}, {transform_indices = #map}]} {
    %mul3A = arith.constant 2 : i32
    %mul3A_0 = arith.muli %arg1, %mul3A : i32
    %add3A = arith.addi %mul3A_0, %arg0 : i32
    %mul3A_1 = arith.constant 6256 : i32
    %mul3A_2 = arith.muli %add3A, %mul3A_1 : i32
    %iota3A = tpu.iota {dimensions = array<i32: 0>} : vector<16xi32>
    %scan3A = arith.constant 0 : i32
    %scan3A_3 = arith.constant 0 : i32
    %scan3A_4 = arith.constant 7 : i32
    %scan3A_5 = arith.addi %scan3A_3, %scan3A_4 : i32
    %scan3A_6 = arith.constant 1 : i32
    scf.for %scan3A_8 = %scan3A_3 to %scan3A_5 step %scan3A_6  : i32 {
      %mul3A_9 = arith.constant 1024 : i32
      %mul3A_10 = arith.muli %scan3A_8, %mul3A_9 : i32
      %min3A = arith.constant 5232 : i32
      %min3A_11 = arith.minsi %mul3A_10, %min3A : i32
      %add3A_12 = arith.addi %mul3A_2, %min3A_11 : i32
      %jit3A = arith.constant 2 : i32
      %div3A = arith.divsi %add3A_12, %jit3A : i32
      %sign3A = arith.constant 0 : i32
      %sign3A_13 = arith.cmpi sgt, %add3A_12, %sign3A : i32
      %sign3A_14 = arith.extui %sign3A_13 : i1 to i32
      %sign3A_15 = arith.constant 0 : i32
      %sign3A_16 = arith.cmpi slt, %add3A_12, %sign3A_15 : i32
      %sign3A_17 = arith.extui %sign3A_16 : i1 to i32
      %sign3A_18 = arith.subi %sign3A_14, %sign3A_17 : i32
      %sign3A_19 = arith.constant 0 : i32
      %sign3A_20 = arith.cmpi sgt, %jit3A, %sign3A_19 : i32
      %sign3A_21 = arith.extui %sign3A_20 : i1 to i32
      %sign3A_22 = arith.constant 0 : i32
      %sign3A_23 = arith.cmpi slt, %jit3A, %sign3A_22 : i32
      %sign3A_24 = arith.extui %sign3A_23 : i1 to i32
      %sign3A_25 = arith.subi %sign3A_21, %sign3A_24 : i32
      %ne3A = arith.cmpi ne, %sign3A_18, %sign3A_25 : i32
      %rem3A = arith.remsi %add3A_12, %jit3A : i32
      %ne3A_26 = arith.constant 0 : i32
      %ne3A_27 = arith.cmpi ne, %rem3A, %ne3A_26 : i32
      %and3A = arith.andi %ne3A, %ne3A_27 : i1
      %sub3A = arith.constant 1 : i32
      %sub3A_28 = arith.subi %div3A, %sub3A : i32
      %select_n3A = arith.select %and3A, %sub3A_28, %div3A : i32
      %jit3A_29 = arith.constant 128 : i32
      %div3A_30 = arith.divsi %select_n3A, %jit3A_29 : i32
      %sign3A_31 = arith.constant 0 : i32
      %sign3A_32 = arith.cmpi sgt, %select_n3A, %sign3A_31 : i32
      %sign3A_33 = arith.extui %sign3A_32 : i1 to i32
      %sign3A_34 = arith.constant 0 : i32
      %sign3A_35 = arith.cmpi slt, %select_n3A, %sign3A_34 : i32
      %sign3A_36 = arith.extui %sign3A_35 : i1 to i32
      %sign3A_37 = arith.subi %sign3A_33, %sign3A_36 : i32
      %sign3A_38 = arith.constant 0 : i32
      %sign3A_39 = arith.cmpi sgt, %jit3A_29, %sign3A_38 : i32
      %sign3A_40 = arith.extui %sign3A_39 : i1 to i32
      %sign3A_41 = arith.constant 0 : i32
      %sign3A_42 = arith.cmpi slt, %jit3A_29, %sign3A_41 : i32
      %sign3A_43 = arith.extui %sign3A_42 : i1 to i32
      %sign3A_44 = arith.subi %sign3A_40, %sign3A_43 : i32
      %ne3A_45 = arith.cmpi ne, %sign3A_37, %sign3A_44 : i32
      %rem3A_46 = arith.remsi %select_n3A, %jit3A_29 : i32
      %ne3A_47 = arith.constant 0 : i32
      %ne3A_48 = arith.cmpi ne, %rem3A_46, %ne3A_47 : i32
      %and3A_49 = arith.andi %ne3A_45, %ne3A_48 : i1
      %sub3A_50 = arith.constant 1 : i32
      %sub3A_51 = arith.subi %div3A_30, %sub3A_50 : i32
      %select_n3A_52 = arith.select %and3A_49, %sub3A_51, %div3A_30 : i32
      %min3A_53 = arith.constant 777 : i32
      %min3A_54 = arith.minsi %select_n3A_52, %min3A_53 : i32
      %mul3A_55 = arith.constant 4 : i32
      %mul3A_56 = arith.muli %min3A_54, %mul3A_55 : i32
      "tpu.region"() ({
        %run_scoped3A = tpu.sem_alloc : memref<!tpu.dma_semaphore, #tpu.memory_space<semaphore_mem>>
        %dma_start3A_189 = arith.constant 0 : i32
        %dma_start3A_190 = tpu.memref_slice %arg3[%mul3A_56, %dma_start3A_189] : memref<3128x128xi32, #tpu.memory_space<hbm>> -> memref<20x128xi32, #tpu.memory_space<hbm>>
        %dma_start3A_191 = arith.constant 0 : i32
        %dma_start3A_192 = tpu.memref_slice %arg3[%mul3A_56, %dma_start3A_191] : memref<3128x128xi32, #tpu.memory_space<hbm>> -> memref<20x128xi32, #tpu.memory_space<hbm>>
        tpu.enqueue_dma source(%dma_start3A_192 : memref<20x128xi32, #tpu.memory_space<hbm>>) target(%arg5 : memref<20x128xi32, #tpu.memory_space<vmem>>) target_semaphore(%run_scoped3A : memref<!tpu.dma_semaphore, #tpu.memory_space<semaphore_mem>>)
        %dma_wait3A_193 = arith.constant 0 : i32
        %dma_wait3A_194 = tpu.memref_slice %arg3[%mul3A_56, %dma_wait3A_193] : memref<3128x128xi32, #tpu.memory_space<hbm>> -> memref<20x128xi32, #tpu.memory_space<hbm>>
        %dma_wait3A_195 = arith.constant 0 : i32
        %dma_wait3A_196 = tpu.memref_slice %arg3[%mul3A_56, %dma_wait3A_195] : memref<3128x128xi32, #tpu.memory_space<hbm>> -> memref<20x128xi32, #tpu.memory_space<hbm>>
        tpu.wait_dma2 semaphore(%run_scoped3A : memref<!tpu.dma_semaphore, #tpu.memory_space<semaphore_mem>>) src(%dma_wait3A_196 : memref<20x128xi32, #tpu.memory_space<hbm>>) dst(%arg5 : memref<20x128xi32, #tpu.memory_space<vmem>>)
        tpu.yield
      }) : () -> ()
      %scan3A_57 = arith.constant 0 : i32
      %scan3A_58 = arith.constant 0 : i32
      %scan3A_59 = arith.constant 64 : i32
      %scan3A_60 = arith.addi %scan3A_58, %scan3A_59 : i32
      %scan3A_61 = arith.constant 1 : i32
      scf.for %scan3A_189 = %scan3A_58 to %scan3A_60 step %scan3A_61  : i32 {
        %mul3A_190 = arith.constant 16 : i32
        %mul3A_191 = arith.muli %scan3A_189, %mul3A_190 : i32
        %add3A_192 = vector.broadcast %mul3A_191 : i32 to vector<16xi32>
        %add3A_193 = arith.addi %add3A_192, %iota3A : vector<16xi32>
        %shift_right_arithmetic3A = arith.constant 1 : i32
        %shift_right_arithmetic3A_194 = vector.broadcast %shift_right_arithmetic3A : i32 to vector<16xi32>
        %shift_right_arithmetic3A_195 = arith.shrsi %add3A_193, %shift_right_arithmetic3A_194 : vector<16xi32>
        %add3A_196 = vector.broadcast %select_n3A : i32 to vector<16xi32>
        %add3A_197 = arith.addi %add3A_196, %shift_right_arithmetic3A_195 : vector<16xi32>
        %shift_right_arithmetic3A_198 = arith.constant 7 : i32
        %shift_right_arithmetic3A_199 = vector.broadcast %shift_right_arithmetic3A_198 : i32 to vector<16xi32>
        %shift_right_arithmetic3A_200 = arith.shrsi %add3A_197, %shift_right_arithmetic3A_199 : vector<16xi32>
        %sub3A_201 = vector.broadcast %min3A_54 : i32 to vector<16xi32>
        %sub3A_202 = arith.subi %shift_right_arithmetic3A_200, %sub3A_201 : vector<16xi32>
        %mul3A_203 = arith.constant 4 : i32
        %mul3A_204 = vector.broadcast %mul3A_203 : i32 to vector<16xi32>
        %mul3A_205 = arith.muli %sub3A_202, %mul3A_204 : vector<16xi32>
        %and3A_206 = arith.constant 1 : i32
        %and3A_207 = vector.broadcast %and3A_206 : i32 to vector<16xi32>
        %and3A_208 = arith.andi %add3A_193, %and3A_207 : vector<16xi32>
        %add3A_209 = arith.constant 2 : i32
        %add3A_210 = vector.broadcast %add3A_209 : i32 to vector<16xi32>
        %add3A_211 = arith.addi %add3A_210, %and3A_208 : vector<16xi32>
        %add3A_212 = arith.addi %mul3A_205, %add3A_211 : vector<16xi32>
        %and3A_213 = arith.constant 127 : i32
        %and3A_214 = vector.broadcast %and3A_213 : i32 to vector<16xi32>
        %and3A_215 = arith.andi %add3A_197, %and3A_214 : vector<16xi32>
        %gather3A = tpu.vector_load_idx %arg5[%add3A_212, %and3A_215] : memref<20x128xi32, #tpu.memory_space<vmem>>[vector<16xi32>, vector<16xi32>], vector<16xi32>,
        %sub3A_216 = arith.constant 128000 : i32
        %sub3A_217 = vector.broadcast %sub3A_216 : i32 to vector<16xi32>
        %sub3A_218 = arith.subi %gather3A, %sub3A_217 : vector<16xi32>
        %max3A = arith.constant 0 : i32
        %max3A_219 = vector.broadcast %max3A : i32 to vector<16xi32>
        %max3A_220 = arith.maxsi %sub3A_218, %max3A_219 : vector<16xi32>
        %mul3A_221 = arith.constant 16 : i32
        %mul3A_222 = arith.muli %scan3A_189, %mul3A_221 : i32
        %swap3A = arith.index_cast %mul3A_222 : i32 to index
        %swap3A_223 = tpu.vector_load %arg6[%swap3A] {strides = array<i32>} : memref<1024xi32, #tpu.memory_space<vmem>>, vector<16xi32>,
        tpu.vector_store %arg6[%swap3A], %max3A_220 {strides = array<i32>} : memref<1024xi32, #tpu.memory_space<vmem>>, vector<16xi32>,
      }
      %scan3A_62 = arith.constant 64 : i32
      %dma_start3A = arith.constant 0 : i32
      %dma_start3A_63 = arith.constant 0 : i32
      %dma_start3A_64 = tpu.memref_slice %arg7[%dma_start3A, %dma_start3A_63] : memref<1024x64xf32, #tpu.memory_space<vmem>> -> memref<128x64xf32, #tpu.memory_space<vmem>>
      %dma_start3A_65 = arith.constant 0 : i32
      %dma_start3A_66 = tpu.memref_slice %arg6[%dma_start3A_65] : memref<1024xi32, #tpu.memory_space<vmem>> -> memref<128xi32, #tpu.memory_space<vmem>>
      %dma_start3A_67 = arith.constant 0 : i32
      %dma_start3A_68 = arith.constant 0 : i32
      %dma_start3A_69 = tpu.memref_slice %arg2[%dma_start3A_67, %dma_start3A_68] : memref<128000x64xf32, #tpu.memory_space<hbm>> -> memref<128000x64xf32, #tpu.memory_space<hbm>>
      tpu.enqueue_indirect_dma source(%dma_start3A_69 : memref<128000x64xf32, #tpu.memory_space<hbm>>) target(%dma_start3A_64 : memref<128x64xf32, #tpu.memory_space<vmem>>) offsets(%dma_start3A_66 : memref<128xi32, #tpu.memory_space<vmem>>) semaphore(%arg8 : memref<!tpu.dma_semaphore, #tpu.memory_space<semaphore_mem>>)
      %dma_start3A_70 = arith.constant 128 : i32
      %dma_start3A_71 = arith.constant 0 : i32
      %dma_start3A_72 = tpu.memref_slice %arg7[%dma_start3A_70, %dma_start3A_71] : memref<1024x64xf32, #tpu.memory_space<vmem>> -> memref<128x64xf32, #tpu.memory_space<vmem>>
      %dma_start3A_73 = arith.constant 128 : i32
      %dma_start3A_74 = tpu.memref_slice %arg6[%dma_start3A_73] : memref<1024xi32, #tpu.memory_space<vmem>> -> memref<128xi32, #tpu.memory_space<vmem>>
      %dma_start3A_75 = arith.constant 0 : i32
      %dma_start3A_76 = arith.constant 0 : i32
      %dma_start3A_77 = tpu.memref_slice %arg2[%dma_start3A_75, %dma_start3A_76] : memref<128000x64xf32, #tpu.memory_space<hbm>> -> memref<128000x64xf32, #tpu.memory_space<hbm>>
      tpu.enqueue_indirect_dma source(%dma_start3A_77 : memref<128000x64xf32, #tpu.memory_space<hbm>>) target(%dma_start3A_72 : memref<128x64xf32, #tpu.memory_space<vmem>>) offsets(%dma_start3A_74 : memref<128xi32, #tpu.memory_space<vmem>>) semaphore(%arg8 : memref<!tpu.dma_semaphore, #tpu.memory_space<semaphore_mem>>)
      %dma_start3A_78 = arith.constant 256 : i32
      %dma_start3A_79 = arith.constant 0 : i32
      %dma_start3A_80 = tpu.memref_slice %arg7[%dma_start3A_78, %dma_start3A_79] : memref<1024x64xf32, #tpu.memory_space<vmem>> -> memref<128x64xf32, #tpu.memory_space<vmem>>
      %dma_start3A_81 = arith.constant 256 : i32
      %dma_start3A_82 = tpu.memref_slice %arg6[%dma_start3A_81] : memref<1024xi32, #tpu.memory_space<vmem>> -> memref<128xi32, #tpu.memory_space<vmem>>
      %dma_start3A_83 = arith.constant 0 : i32
      %dma_start3A_84 = arith.constant 0 : i32
      %dma_start3A_85 = tpu.memref_slice %arg2[%dma_start3A_83, %dma_start3A_84] : memref<128000x64xf32, #tpu.memory_space<hbm>> -> memref<128000x64xf32, #tpu.memory_space<hbm>>
      tpu.enqueue_indirect_dma source(%dma_start3A_85 : memref<128000x64xf32, #tpu.memory_space<hbm>>) target(%dma_start3A_80 : memref<128x64xf32, #tpu.memory_space<vmem>>) offsets(%dma_start3A_82 : memref<128xi32, #tpu.memory_space<vmem>>) semaphore(%arg8 : memref<!tpu.dma_semaphore, #tpu.memory_space<semaphore_mem>>)
      %dma_start3A_86 = arith.constant 384 : i32
      %dma_start3A_87 = arith.constant 0 : i32
      %dma_start3A_88 = tpu.memref_slice %arg7[%dma_start3A_86, %dma_start3A_87] : memref<1024x64xf32, #tpu.memory_space<vmem>> -> memref<128x64xf32, #tpu.memory_space<vmem>>
      %dma_start3A_89 = arith.constant 384 : i32
      %dma_start3A_90 = tpu.memref_slice %arg6[%dma_start3A_89] : memref<1024xi32, #tpu.memory_space<vmem>> -> memref<128xi32, #tpu.memory_space<vmem>>
      %dma_start3A_91 = arith.constant 0 : i32
      %dma_start3A_92 = arith.constant 0 : i32
      %dma_start3A_93 = tpu.memref_slice %arg2[%dma_start3A_91, %dma_start3A_92] : memref<128000x64xf32, #tpu.memory_space<hbm>> -> memref<128000x64xf32, #tpu.memory_space<hbm>>
      tpu.enqueue_indirect_dma source(%dma_start3A_93 : memref<128000x64xf32, #tpu.memory_space<hbm>>) target(%dma_start3A_88 : memref<128x64xf32, #tpu.memory_space<vmem>>) offsets(%dma_start3A_90 : memref<128xi32, #tpu.memory_space<vmem>>) semaphore(%arg8 : memref<!tpu.dma_semaphore, #tpu.memory_space<semaphore_mem>>)
      %dma_start3A_94 = arith.constant 512 : i32
      %dma_start3A_95 = arith.constant 0 : i32
      %dma_start3A_96 = tpu.memref_slice %arg7[%dma_start3A_94, %dma_start3A_95] : memref<1024x64xf32, #tpu.memory_space<vmem>> -> memref<128x64xf32, #tpu.memory_space<vmem>>
      %dma_start3A_97 = arith.constant 512 : i32
      %dma_start3A_98 = tpu.memref_slice %arg6[%dma_start3A_97] : memref<1024xi32, #tpu.memory_space<vmem>> -> memref<128xi32, #tpu.memory_space<vmem>>
      %dma_start3A_99 = arith.constant 0 : i32
      %dma_start3A_100 = arith.constant 0 : i32
      %dma_start3A_101 = tpu.memref_slice %arg2[%dma_start3A_99, %dma_start3A_100] : memref<128000x64xf32, #tpu.memory_space<hbm>> -> memref<128000x64xf32, #tpu.memory_space<hbm>>
      tpu.enqueue_indirect_dma source(%dma_start3A_101 : memref<128000x64xf32, #tpu.memory_space<hbm>>) target(%dma_start3A_96 : memref<128x64xf32, #tpu.memory_space<vmem>>) offsets(%dma_start3A_98 : memref<128xi32, #tpu.memory_space<vmem>>) semaphore(%arg8 : memref<!tpu.dma_semaphore, #tpu.memory_space<semaphore_mem>>)
      %dma_start3A_102 = arith.constant 640 : i32
      %dma_start3A_103 = arith.constant 0 : i32
      %dma_start3A_104 = tpu.memref_slice %arg7[%dma_start3A_102, %dma_start3A_103] : memref<1024x64xf32, #tpu.memory_space<vmem>> -> memref<128x64xf32, #tpu.memory_space<vmem>>
      %dma_start3A_105 = arith.constant 640 : i32
      %dma_start3A_106 = tpu.memref_slice %arg6[%dma_start3A_105] : memref<1024xi32, #tpu.memory_space<vmem>> -> memref<128xi32, #tpu.memory_space<vmem>>
      %dma_start3A_107 = arith.constant 0 : i32
      %dma_start3A_108 = arith.constant 0 : i32
      %dma_start3A_109 = tpu.memref_slice %arg2[%dma_start3A_107, %dma_start3A_108] : memref<128000x64xf32, #tpu.memory_space<hbm>> -> memref<128000x64xf32, #tpu.memory_space<hbm>>
      tpu.enqueue_indirect_dma source(%dma_start3A_109 : memref<128000x64xf32, #tpu.memory_space<hbm>>) target(%dma_start3A_104 : memref<128x64xf32, #tpu.memory_space<vmem>>) offsets(%dma_start3A_106 : memref<128xi32, #tpu.memory_space<vmem>>) semaphore(%arg8 : memref<!tpu.dma_semaphore, #tpu.memory_space<semaphore_mem>>)
      %dma_start3A_110 = arith.constant 768 : i32
      %dma_start3A_111 = arith.constant 0 : i32
      %dma_start3A_112 = tpu.memref_slice %arg7[%dma_start3A_110, %dma_start3A_111] : memref<1024x64xf32, #tpu.memory_space<vmem>> -> memref<128x64xf32, #tpu.memory_space<vmem>>
      %dma_start3A_113 = arith.constant 768 : i32
      %dma_start3A_114 = tpu.memref_slice %arg6[%dma_start3A_113] : memref<1024xi32, #tpu.memory_space<vmem>> -> memref<128xi32, #tpu.memory_space<vmem>>
      %dma_start3A_115 = arith.constant 0 : i32
      %dma_start3A_116 = arith.constant 0 : i32
      %dma_start3A_117 = tpu.memref_slice %arg2[%dma_start3A_115, %dma_start3A_116] : memref<128000x64xf32, #tpu.memory_space<hbm>> -> memref<128000x64xf32, #tpu.memory_space<hbm>>
      tpu.enqueue_indirect_dma source(%dma_start3A_117 : memref<128000x64xf32, #tpu.memory_space<hbm>>) target(%dma_start3A_112 : memref<128x64xf32, #tpu.memory_space<vmem>>) offsets(%dma_start3A_114 : memref<128xi32, #tpu.memory_space<vmem>>) semaphore(%arg8 : memref<!tpu.dma_semaphore, #tpu.memory_space<semaphore_mem>>)
      %dma_start3A_118 = arith.constant 896 : i32
      %dma_start3A_119 = arith.constant 0 : i32
      %dma_start3A_120 = tpu.memref_slice %arg7[%dma_start3A_118, %dma_start3A_119] : memref<1024x64xf32, #tpu.memory_space<vmem>> -> memref<128x64xf32, #tpu.memory_space<vmem>>
      %dma_start3A_121 = arith.constant 896 : i32
      %dma_start3A_122 = tpu.memref_slice %arg6[%dma_start3A_121] : memref<1024xi32, #tpu.memory_space<vmem>> -> memref<128xi32, #tpu.memory_space<vmem>>
      %dma_start3A_123 = arith.constant 0 : i32
      %dma_start3A_124 = arith.constant 0 : i32
      %dma_start3A_125 = tpu.memref_slice %arg2[%dma_start3A_123, %dma_start3A_124] : memref<128000x64xf32, #tpu.memory_space<hbm>> -> memref<128000x64xf32, #tpu.memory_space<hbm>>
      tpu.enqueue_indirect_dma source(%dma_start3A_125 : memref<128000x64xf32, #tpu.memory_space<hbm>>) target(%dma_start3A_120 : memref<128x64xf32, #tpu.memory_space<vmem>>) offsets(%dma_start3A_122 : memref<128xi32, #tpu.memory_space<vmem>>) semaphore(%arg8 : memref<!tpu.dma_semaphore, #tpu.memory_space<semaphore_mem>>)
      %dma_wait3A = arith.constant 0 : i32
      %dma_wait3A_126 = arith.constant 0 : i32
      %dma_wait3A_127 = tpu.memref_slice %arg7[%dma_wait3A, %dma_wait3A_126] : memref<1024x64xf32, #tpu.memory_space<vmem>> -> memref<128x64xf32, #tpu.memory_space<vmem>>
      %dma_wait3A_128 = arith.constant 0 : i32
      %dma_wait3A_129 = tpu.memref_slice %arg6[%dma_wait3A_128] : memref<1024xi32, #tpu.memory_space<vmem>> -> memref<128xi32, #tpu.memory_space<vmem>>
      %dma_wait3A_130 = arith.constant 0 : i32
      %dma_wait3A_131 = arith.constant 0 : i32
      %dma_wait3A_132 = tpu.memref_slice %arg2[%dma_wait3A_130, %dma_wait3A_131] : memref<128000x64xf32, #tpu.memory_space<hbm>> -> memref<128000x64xf32, #tpu.memory_space<hbm>>
      tpu.wait_indirect_dma semaphore(%arg8 : memref<!tpu.dma_semaphore, #tpu.memory_space<semaphore_mem>>) src(%dma_wait3A_132 : memref<128000x64xf32, #tpu.memory_space<hbm>>) dst(%dma_wait3A_127 : memref<128x64xf32, #tpu.memory_space<vmem>>)
      %dma_wait3A_133 = arith.constant 128 : i32
      %dma_wait3A_134 = arith.constant 0 : i32
      %dma_wait3A_135 = tpu.memref_slice %arg7[%dma_wait3A_133, %dma_wait3A_134] : memref<1024x64xf32, #tpu.memory_space<vmem>> -> memref<128x64xf32, #tpu.memory_space<vmem>>
      %dma_wait3A_136 = arith.constant 128 : i32
      %dma_wait3A_137 = tpu.memref_slice %arg6[%dma_wait3A_136] : memref<1024xi32, #tpu.memory_space<vmem>> -> memref<128xi32, #tpu.memory_space<vmem>>
      %dma_wait3A_138 = arith.constant 0 : i32
      %dma_wait3A_139 = arith.constant 0 : i32
      %dma_wait3A_140 = tpu.memref_slice %arg2[%dma_wait3A_138, %dma_wait3A_139] : memref<128000x64xf32, #tpu.memory_space<hbm>> -> memref<128000x64xf32, #tpu.memory_space<hbm>>
      tpu.wait_indirect_dma semaphore(%arg8 : memref<!tpu.dma_semaphore, #tpu.memory_space<semaphore_mem>>) src(%dma_wait3A_140 : memref<128000x64xf32, #tpu.memory_space<hbm>>) dst(%dma_wait3A_135 : memref<128x64xf32, #tpu.memory_space<vmem>>)
      %dma_wait3A_141 = arith.constant 256 : i32
      %dma_wait3A_142 = arith.constant 0 : i32
      %dma_wait3A_143 = tpu.memref_slice %arg7[%dma_wait3A_141, %dma_wait3A_142] : memref<1024x64xf32, #tpu.memory_space<vmem>> -> memref<128x64xf32, #tpu.memory_space<vmem>>
      %dma_wait3A_144 = arith.constant 256 : i32
      %dma_wait3A_145 = tpu.memref_slice %arg6[%dma_wait3A_144] : memref<1024xi32, #tpu.memory_space<vmem>> -> memref<128xi32, #tpu.memory_space<vmem>>
      %dma_wait3A_146 = arith.constant 0 : i32
      %dma_wait3A_147 = arith.constant 0 : i32
      %dma_wait3A_148 = tpu.memref_slice %arg2[%dma_wait3A_146, %dma_wait3A_147] : memref<128000x64xf32, #tpu.memory_space<hbm>> -> memref<128000x64xf32, #tpu.memory_space<hbm>>
      tpu.wait_indirect_dma semaphore(%arg8 : memref<!tpu.dma_semaphore, #tpu.memory_space<semaphore_mem>>) src(%dma_wait3A_148 : memref<128000x64xf32, #tpu.memory_space<hbm>>) dst(%dma_wait3A_143 : memref<128x64xf32, #tpu.memory_space<vmem>>)
      %dma_wait3A_149 = arith.constant 384 : i32
      %dma_wait3A_150 = arith.constant 0 : i32
      %dma_wait3A_151 = tpu.memref_slice %arg7[%dma_wait3A_149, %dma_wait3A_150] : memref<1024x64xf32, #tpu.memory_space<vmem>> -> memref<128x64xf32, #tpu.memory_space<vmem>>
      %dma_wait3A_152 = arith.constant 384 : i32
      %dma_wait3A_153 = tpu.memref_slice %arg6[%dma_wait3A_152] : memref<1024xi32, #tpu.memory_space<vmem>> -> memref<128xi32, #tpu.memory_space<vmem>>
      %dma_wait3A_154 = arith.constant 0 : i32
      %dma_wait3A_155 = arith.constant 0 : i32
      %dma_wait3A_156 = tpu.memref_slice %arg2[%dma_wait3A_154, %dma_wait3A_155] : memref<128000x64xf32, #tpu.memory_space<hbm>> -> memref<128000x64xf32, #tpu.memory_space<hbm>>
      tpu.wait_indirect_dma semaphore(%arg8 : memref<!tpu.dma_semaphore, #tpu.memory_space<semaphore_mem>>) src(%dma_wait3A_156 : memref<128000x64xf32, #tpu.memory_space<hbm>>) dst(%dma_wait3A_151 : memref<128x64xf32, #tpu.memory_space<vmem>>)
      %dma_wait3A_157 = arith.constant 512 : i32
      %dma_wait3A_158 = arith.constant 0 : i32
      %dma_wait3A_159 = tpu.memref_slice %arg7[%dma_wait3A_157, %dma_wait3A_158] : memref<1024x64xf32, #tpu.memory_space<vmem>> -> memref<128x64xf32, #tpu.memory_space<vmem>>
      %dma_wait3A_160 = arith.constant 512 : i32
      %dma_wait3A_161 = tpu.memref_slice %arg6[%dma_wait3A_160] : memref<1024xi32, #tpu.memory_space<vmem>> -> memref<128xi32, #tpu.memory_space<vmem>>
      %dma_wait3A_162 = arith.constant 0 : i32
      %dma_wait3A_163 = arith.constant 0 : i32
      %dma_wait3A_164 = tpu.memref_slice %arg2[%dma_wait3A_162, %dma_wait3A_163] : memref<128000x64xf32, #tpu.memory_space<hbm>> -> memref<128000x64xf32, #tpu.memory_space<hbm>>
      tpu.wait_indirect_dma semaphore(%arg8 : memref<!tpu.dma_semaphore, #tpu.memory_space<semaphore_mem>>) src(%dma_wait3A_164 : memref<128000x64xf32, #tpu.memory_space<hbm>>) dst(%dma_wait3A_159 : memref<128x64xf32, #tpu.memory_space<vmem>>)
      %dma_wait3A_165 = arith.constant 640 : i32
      %dma_wait3A_166 = arith.constant 0 : i32
      %dma_wait3A_167 = tpu.memref_slice %arg7[%dma_wait3A_165, %dma_wait3A_166] : memref<1024x64xf32, #tpu.memory_space<vmem>> -> memref<128x64xf32, #tpu.memory_space<vmem>>
      %dma_wait3A_168 = arith.constant 640 : i32
      %dma_wait3A_169 = tpu.memref_slice %arg6[%dma_wait3A_168] : memref<1024xi32, #tpu.memory_space<vmem>> -> memref<128xi32, #tpu.memory_space<vmem>>
      %dma_wait3A_170 = arith.constant 0 : i32
      %dma_wait3A_171 = arith.constant 0 : i32
      %dma_wait3A_172 = tpu.memref_slice %arg2[%dma_wait3A_170, %dma_wait3A_171] : memref<128000x64xf32, #tpu.memory_space<hbm>> -> memref<128000x64xf32, #tpu.memory_space<hbm>>
      tpu.wait_indirect_dma semaphore(%arg8 : memref<!tpu.dma_semaphore, #tpu.memory_space<semaphore_mem>>) src(%dma_wait3A_172 : memref<128000x64xf32, #tpu.memory_space<hbm>>) dst(%dma_wait3A_167 : memref<128x64xf32, #tpu.memory_space<vmem>>)
      %dma_wait3A_173 = arith.constant 768 : i32
      %dma_wait3A_174 = arith.constant 0 : i32
      %dma_wait3A_175 = tpu.memref_slice %arg7[%dma_wait3A_173, %dma_wait3A_174] : memref<1024x64xf32, #tpu.memory_space<vmem>> -> memref<128x64xf32, #tpu.memory_space<vmem>>
      %dma_wait3A_176 = arith.constant 768 : i32
      %dma_wait3A_177 = tpu.memref_slice %arg6[%dma_wait3A_176] : memref<1024xi32, #tpu.memory_space<vmem>> -> memref<128xi32, #tpu.memory_space<vmem>>
      %dma_wait3A_178 = arith.constant 0 : i32
      %dma_wait3A_179 = arith.constant 0 : i32
      %dma_wait3A_180 = tpu.memref_slice %arg2[%dma_wait3A_178, %dma_wait3A_179] : memref<128000x64xf32, #tpu.memory_space<hbm>> -> memref<128000x64xf32, #tpu.memory_space<hbm>>
      tpu.wait_indirect_dma semaphore(%arg8 : memref<!tpu.dma_semaphore, #tpu.memory_space<semaphore_mem>>) src(%dma_wait3A_180 : memref<128000x64xf32, #tpu.memory_space<hbm>>) dst(%dma_wait3A_175 : memref<128x64xf32, #tpu.memory_space<vmem>>)
      %dma_wait3A_181 = arith.constant 896 : i32
      %dma_wait3A_182 = arith.constant 0 : i32
      %dma_wait3A_183 = tpu.memref_slice %arg7[%dma_wait3A_181, %dma_wait3A_182] : memref<1024x64xf32, #tpu.memory_space<vmem>> -> memref<128x64xf32, #tpu.memory_space<vmem>>
      %dma_wait3A_184 = arith.constant 896 : i32
      %dma_wait3A_185 = tpu.memref_slice %arg6[%dma_wait3A_184] : memref<1024xi32, #tpu.memory_space<vmem>> -> memref<128xi32, #tpu.memory_space<vmem>>
      %dma_wait3A_186 = arith.constant 0 : i32
      %dma_wait3A_187 = arith.constant 0 : i32
      %dma_wait3A_188 = tpu.memref_slice %arg2[%dma_wait3A_186, %dma_wait3A_187] : memref<128000x64xf32, #tpu.memory_space<hbm>> -> memref<128000x64xf32, #tpu.memory_space<hbm>>
      tpu.wait_indirect_dma semaphore(%arg8 : memref<!tpu.dma_semaphore, #tpu.memory_space<semaphore_mem>>) src(%dma_wait3A_188 : memref<128000x64xf32, #tpu.memory_space<hbm>>) dst(%dma_wait3A_183 : memref<128x64xf32, #tpu.memory_space<vmem>>)
      "tpu.region"() ({
        %run_scoped3A = tpu.sem_alloc : memref<!tpu.dma_semaphore, #tpu.memory_space<semaphore_mem>>
        %dma_start3A_189 = arith.constant 0 : i32
        %dma_start3A_190 = tpu.memref_slice %arg4[%add3A_12, %dma_start3A_189] : memref<200192x64xf32, #tpu.memory_space<hbm>> -> memref<1024x64xf32, #tpu.memory_space<hbm>>
        %dma_start3A_191 = arith.constant 0 : i32
        %dma_start3A_192 = tpu.memref_slice %arg4[%add3A_12, %dma_start3A_191] : memref<200192x64xf32, #tpu.memory_space<hbm>> -> memref<1024x64xf32, #tpu.memory_space<hbm>>
        tpu.enqueue_dma source(%arg7 : memref<1024x64xf32, #tpu.memory_space<vmem>>) target(%dma_start3A_192 : memref<1024x64xf32, #tpu.memory_space<hbm>>) target_semaphore(%run_scoped3A : memref<!tpu.dma_semaphore, #tpu.memory_space<semaphore_mem>>)
        %dma_wait3A_193 = arith.constant 0 : i32
        %dma_wait3A_194 = tpu.memref_slice %arg4[%add3A_12, %dma_wait3A_193] : memref<200192x64xf32, #tpu.memory_space<hbm>> -> memref<1024x64xf32, #tpu.memory_space<hbm>>
        %dma_wait3A_195 = arith.constant 0 : i32
        %dma_wait3A_196 = tpu.memref_slice %arg4[%add3A_12, %dma_wait3A_195] : memref<200192x64xf32, #tpu.memory_space<hbm>> -> memref<1024x64xf32, #tpu.memory_space<hbm>>
        tpu.wait_dma2 semaphore(%run_scoped3A : memref<!tpu.dma_semaphore, #tpu.memory_space<semaphore_mem>>) src(%arg7 : memref<1024x64xf32, #tpu.memory_space<vmem>>) dst(%dma_wait3A_196 : memref<1024x64xf32, #tpu.memory_space<hbm>>)
        tpu.yield
      }) : () -> ()
    }
    %scan3A_7 = arith.constant 7 : i32
    return
  }
}

module attributes {stable_mosaic.version = 14 : i64} {
  func.func @_fmt_body0(%arg0: i32, %arg1: memref<4352x128xf32, #tpu.memory_space<vmem>>, %arg2: memref<1x2x64x4352xf32, #tpu.memory_space<vmem>>) attributes {dimension_semantics = [#tpu.dimension_semantics<arbitrary>], iteration_bounds = array<i64: 23>, scalar_prefetch = 0 : i64, scratch_operands = 0 : i64, tpu.core_type = #tpu.core_type<tc>, window_params = [{transform_indices = @transform_0, window_bounds = array<i64: 4352, 128>}, {transform_indices = @transform_1, window_bounds = array<i64: 1, 2, 64, 4352>}]} {
    %get3A = arith.constant 0 : index
    %get3A_0 = arith.constant 0 : index
    %get3A_1 = vector.load %arg1[%get3A, %get3A_0] : memref<4352x128xf32, #tpu.memory_space<vmem>>, vector<4352x128xf32>
    %transpose3A = tpu.transpose %get3A_1, [1, 0] : vector<4352x128xf32> -> vector<128x4352xf32>
    %slice3A = vector.extract_strided_slice %transpose3A {offsets = [0, 0], sizes = [64, 4352], strides = [1, 1]} : vector<128x4352xf32> to vector<64x4352xf32>
    %swap3A = arith.constant 0 : index
    %swap3A_2 = arith.constant 0 : index
    %swap3A_3 = arith.constant 0 : index
    %swap3A_4 = arith.constant 0 : index
    %swap3A_5 = vector.load %arg2[%swap3A, %swap3A_2, %swap3A_3, %swap3A_4] : memref<1x2x64x4352xf32, #tpu.memory_space<vmem>>, vector<1x1x64x4352xf32>
    %swap3A_6 = vector.shape_cast %swap3A_5 : vector<1x1x64x4352xf32> to vector<64x4352xf32>
    %swap3A_7 = vector.shape_cast %slice3A : vector<64x4352xf32> to vector<1x1x64x4352xf32>
    tpu.vector_store %arg2[%swap3A, %swap3A_2, %swap3A_3, %swap3A_4], %swap3A_7 {strides = array<i32>} : memref<1x2x64x4352xf32, #tpu.memory_space<vmem>>, vector<1x1x64x4352xf32>,
    %slice3A_8 = vector.extract_strided_slice %transpose3A {offsets = [64, 0], sizes = [64, 4352], strides = [1, 1]} : vector<128x4352xf32> to vector<64x4352xf32>
    %swap3A_9 = arith.constant 0 : index
    %swap3A_10 = arith.constant 1 : index
    %swap3A_11 = arith.constant 0 : index
    %swap3A_12 = arith.constant 0 : index
    %swap3A_13 = vector.load %arg2[%swap3A_9, %swap3A_10, %swap3A_11, %swap3A_12] : memref<1x2x64x4352xf32, #tpu.memory_space<vmem>>, vector<1x1x64x4352xf32>
    %swap3A_14 = vector.shape_cast %swap3A_13 : vector<1x1x64x4352xf32> to vector<64x4352xf32>
    %swap3A_15 = vector.shape_cast %slice3A_8 : vector<64x4352xf32> to vector<1x1x64x4352xf32>
    tpu.vector_store %arg2[%swap3A_9, %swap3A_10, %swap3A_11, %swap3A_12], %swap3A_15 {strides = array<i32>} : memref<1x2x64x4352xf32, #tpu.memory_space<vmem>>, vector<1x1x64x4352xf32>,
    return
  }
  func.func @transform_0(%arg0: i32) -> (i32, i32) {
    %c0_i32 = arith.constant 0 : i32
    %c0_i32_0 = arith.constant 0 : i32
    return %arg0, %c0_i32 : i32, i32
  }
  func.func @transform_1(%arg0: i32) -> (i32, i32, i32, i32) {
    %c0_i32 = arith.constant 0 : i32
    %c0_i32_0 = arith.constant 0 : i32
    %c0_i32_1 = arith.constant 0 : i32
    %c0_i32_2 = arith.constant 0 : i32
    return %c0_i32, %c0_i32_0, %c0_i32_1, %arg0 : i32, i32, i32, i32
  }
}

module attributes {stable_mosaic.version = 14 : i64} {
  func.func @_fmt_body1(%arg0: i32, %arg1: memref<4352x128xf32, #tpu.memory_space<vmem>>, %arg2: memref<2x2x64x100096xf32, #tpu.memory_space<any>>, %arg3: memref<1x2x64x4352xf32, #tpu.memory_space<vmem>>) attributes {dimension_semantics = [#tpu.dimension_semantics<arbitrary>], iteration_bounds = array<i64: 23>, scalar_prefetch = 0 : i64, scratch_operands = 0 : i64, tpu.core_type = #tpu.core_type<tc>, window_params = [{transform_indices = @transform_0, window_bounds = array<i64: 4352, 128>}, {}, {transform_indices = @transform_2, window_bounds = array<i64: 1, 2, 64, 4352>}]} {
    %get3A = arith.constant 0 : index
    %get3A_0 = arith.constant 0 : index
    %get3A_1 = vector.load %arg1[%get3A, %get3A_0] : memref<4352x128xf32, #tpu.memory_space<vmem>>, vector<4352x128xf32>
    %transpose3A = tpu.transpose %get3A_1, [1, 0] : vector<4352x128xf32> -> vector<128x4352xf32>
    %slice3A = vector.extract_strided_slice %transpose3A {offsets = [0, 0], sizes = [64, 4352], strides = [1, 1]} : vector<128x4352xf32> to vector<64x4352xf32>
    %swap3A = arith.constant 0 : index
    %swap3A_2 = arith.constant 0 : index
    %swap3A_3 = arith.constant 0 : index
    %swap3A_4 = arith.constant 0 : index
    %swap3A_5 = vector.load %arg3[%swap3A, %swap3A_2, %swap3A_3, %swap3A_4] : memref<1x2x64x4352xf32, #tpu.memory_space<vmem>>, vector<1x1x64x4352xf32>
    %swap3A_6 = vector.shape_cast %swap3A_5 : vector<1x1x64x4352xf32> to vector<64x4352xf32>
    %swap3A_7 = vector.shape_cast %slice3A : vector<64x4352xf32> to vector<1x1x64x4352xf32>
    tpu.vector_store %arg3[%swap3A, %swap3A_2, %swap3A_3, %swap3A_4], %swap3A_7 {strides = array<i32>} : memref<1x2x64x4352xf32, #tpu.memory_space<vmem>>, vector<1x1x64x4352xf32>,
    %slice3A_8 = vector.extract_strided_slice %transpose3A {offsets = [64, 0], sizes = [64, 4352], strides = [1, 1]} : vector<128x4352xf32> to vector<64x4352xf32>
    %swap3A_9 = arith.constant 0 : index
    %swap3A_10 = arith.constant 1 : index
    %swap3A_11 = arith.constant 0 : index
    %swap3A_12 = arith.constant 0 : index
    %swap3A_13 = vector.load %arg3[%swap3A_9, %swap3A_10, %swap3A_11, %swap3A_12] : memref<1x2x64x4352xf32, #tpu.memory_space<vmem>>, vector<1x1x64x4352xf32>
    %swap3A_14 = vector.shape_cast %swap3A_13 : vector<1x1x64x4352xf32> to vector<64x4352xf32>
    %swap3A_15 = vector.shape_cast %slice3A_8 : vector<64x4352xf32> to vector<1x1x64x4352xf32>
    tpu.vector_store %arg3[%swap3A_9, %swap3A_10, %swap3A_11, %swap3A_12], %swap3A_15 {strides = array<i32>} : memref<1x2x64x4352xf32, #tpu.memory_space<vmem>>, vector<1x1x64x4352xf32>,
    return
  }
  func.func @transform_0(%arg0: i32) -> (i32, i32) {
    %c0_i32 = arith.constant 0 : i32
    %c0_i32_0 = arith.constant 0 : i32
    return %arg0, %c0_i32 : i32, i32
  }
  func.func @transform_2(%arg0: i32) -> (i32, i32, i32, i32) {
    %c1_i32 = arith.constant 1 : i32
    %c0_i32 = arith.constant 0 : i32
    %c0_i32_0 = arith.constant 0 : i32
    %c0_i32_1 = arith.constant 0 : i32
    return %c1_i32, %c0_i32, %c0_i32_0, %arg0 : i32, i32, i32, i32
  }
}

</mosaic_0001>

<sc_bundles>
// kernel: kernel.6.cloned.1.call-start
scs
__scs_entry_jumppad:
0x0: {  	(pc) =	sbr.rel $0x88, $3  }
0x1: {  	(tag) =	ssettag $0x0;
	lr =	simm.s32 $0x1  }
0x2: {  	[smem:$0x3F9F] =	sst lr;
	_ =	strace $0xD0000000  }
0x3: {  	_ = 	snop  }
0x4: {  	_ = 	snop  }
0x5: {  	_ = 	snop  }
0x6: {  	_ = 	snop  }
0x7: {  	_ = 	snop  }
__scs_overlays_trampoline_lowered:
0x8: {  	[smem:$0x3FAE] =	sst s0  }
0x9: {  	[smem:$0x3FAF] =	sst s1  }
0xa: {  	[smem:$0x3FB0] =	sst s2  }
0xb: {  	[smem:$0x3FB1] =	sst s3  }
0xc: {  	[smem:$0x3FB2] =	sst s4  }
0xd: {  	[smem:$0x3FB3] =	sst s5  }
0xe: {  	[smem:$0x3FB4] =	sst s6  }
0xf: {  	[smem:$0x3FB5] =	sst s7  }
0x10: {  	[smem:$0x3FB6] =	sst s8  }
0x11: {  	[smem:$0x3FB7] =	sst s9;
	s0 =	simm.s32 @!p0 $0x0  }
0x12: {  	s1 =	sld [smem:$0x3F9D];
	s0 =	simm.s32 @p0 $0x1  }
0x13: {  	[smem:$0x3FB8] =	sst s0;
	s0 =	simm.s32 @!p1 $0x0  }
0x14: {  	s2 =	sld [smem:$0x3F9C];
	s0 =	simm.s32 @p1 $0x1  }
0x15: {  	[smem:$0x3FB9] =	sst s0;
	s0 =	simm.s32 @!p2 $0x0  }
0x16: {  	s3 =	sld [smem:$0x3FDB];
	s0 =	simm.s32 @p2 $0x1  }
0x17: {  	s4 =	simm.s32 $0x1BF5;
	[smem:$0x3FBB] =	sst s0  }
0x18: {  	s0 =	sld [smem:$0x3F9E];
	_ =	swait.ge [sflag:s4], $0x0  }
0x19: {  	s7 =	sld [smem:$0x3F9F]  }
0x1a: {  	s8 =	sadd.s32 $0xFFFFE003, lr  }
0x1b: {  	s9 =	sadd.s32 $0xFFFFFEF7, lr;
	s5 =	simm.s32 $0xFFFFFFFF;
	p2 =	slt.u32 s8, $0xFFFFF086  }
0x1c: {  	p1 =	slt.u32 s9, $0xF7A;
	s5 =	simm.s32 @!p2 $0x0  }
0x1d: {  	s5 =	simm.s32 @p1 $0x1;
	p0 =	seq.s32 s7, s2  }
0x1e: {  	s7 =	smul.u32 @!p0 $0xF7A, s2;
	p2 =	seq.s32 @!p0 s5, $0x0  }
0x1f: {  	s9 =	smul.u32 $0xF7A, s1;
	s8 =	simm.s32 @!p0 $0x1BF5;
	p2 =	por !p2, p0  }
0x20: {  	[sflag:s8] =	ssyncset.s32 @!p0 $0xFFFFF086;
	s6 =	sadd.s32 @!p0 s3, s7;
	s7 =	simm.s32 @!p0 $0x108  }
0x21: {  	s3 =	sadd.s32 s3, s9;
	s6 =	sadd.s32 @!p0 $0x88, s6;
	s7 =	simm.s32 @p2 $0x1082  }
0x22: {  	[simem:s7], [sflag:s8] =	dma.local @!p0 [hbm:s6], $0xF7A  }
0x23: {  	s9 =	sor.u32 $0xD0000000, s2;
	s6 =	simm.s32 $0x108;
	_ =	swait.ge @!p0 [sflag:s8], $0x0  }
0x24: {  	s3 =	sadd.s32 $0x88, s3;
	s6 =	simm.s32 @!p1 $0x1082;
	[sflag:s4] =	ssyncset.s32 $0xFFFFF086  }
0x25: {  	[simem:s6], [sflag:s4] =	dma.local [hbm:s3], $0xF7A  }
0x26: {  	[smem:$0x3F9F] =	sst s1;
	(tag) =	ssettag s2;
	_ =	strace s9  }
0x27: {  	s1 =	sld [smem:$0x3FAF]  }
0x28: {  	s2 =	sld [smem:$0x3FB0]  }
0x29: {  	s4 =	sld [smem:$0x3FB2]  }
0x2a: {  	p0 =	seq.s32 s5, $0x0;
	s5 =	sld [smem:$0x3FB3]  }
0x2b: {  	s6 =	sld [smem:$0x3FB4]  }
0x2c: {  	s7 =	sld [smem:$0x3FB5]  }
0x2d: {  	s3 =	simm.s32 $0x108;
	s8 =	sld [smem:$0x3FB6]  }
0x2e: {  	s3 =	simm.s32 @!p0 $0x1082;
	s9 =	sld [smem:$0x3FB7]  }
0x2f: {  	lr =	sadd.s32 s0, s3;
	s0 =	sld [smem:$0x3FAE]  }
0x30: {  	s3 =	sld [smem:$0x3FB1]  }
0x31: {  	[smem:$0x3FBA] =	sst s10  }
0x32: {  	s10 =	sld [smem:$0x3FB8];
	_ =	sdelay $0x3  }
0x33: {  	p0 =	seq.s32 s10, $0x1;
	s10 =	sld [smem:$0x3FBA];
	_ =	sdelay $0x3  }
0x34: {  	[smem:$0x3FBA] =	sst s10  }
0x35: {  	s10 =	sld [smem:$0x3FB9];
	_ =	sdelay $0x3  }
0x36: {  	p1 =	seq.s32 s10, $0x1;
	s10 =	sld [smem:$0x3FBA];
	_ =	sdelay $0x3  }
0x37: {  	[smem:$0x3FBA] =	sst s10  }
0x38: {  	s10 =	sld [smem:$0x3FBB]  }
0x39: {  	_ = 	snop;
	(pc) =	sbr.ind lr, $3  }
0x3a: {  	_ = 	snop  }
0x3b: {  	_ = 	snop  }
0x3c: {  	p2 =	seq.s32 s10, $0x1;
	s10 =	sld [smem:$0x3FBA]  }
0x3d: {  	_ =	shalt  }
0x3e: {  	_ =	shalt  }
0x3f: {  	_ =	shalt  }
0x40: {  	_ =	shalt  }
0x41: {  	_ =	shalt  }
0x42: {  	_ =	shalt  }
0x43: {  	_ =	shalt  }
0x44: {  	_ =	shalt  }
0x45: {  	_ =	shalt  }
0x46: {  	_ =	shalt  }
0x47: {  	_ =	shalt  }
0x48: {  	_ =	shalt  }
0x49: {  	_ =	shalt  }
0x4a: {  	_ =	shalt  }
0x4b: {  	_ =	shalt  }
0x4c: {  	_ =	shalt  }
0x4d: {  	_ =	shalt  }
0x4e: {  	_ =	shalt  }
0x4f: {  	_ =	shalt  }
0x50: {  	_ =	shalt  }
0x51: {  	_ =	shalt  }
0x52: {  	_ =	shalt  }
0x53: {  	_ =	shalt  }
0x54: {  	_ =	shalt  }
0x55: {  	_ =	shalt  }
0x56: {  	_ =	shalt  }
0x57: {  	_ =	shalt  }
0x58: {  	_ =	shalt  }
0x59: {  	_ =	shalt  }
0x5a: {  	_ =	shalt  }
0x5b: {  	_ =	shalt  }
0x5c: {  	_ =	shalt  }
0x5d: {  	_ =	shalt  }
0x5e: {  	_ =	shalt  }
0x5f: {  	_ =	shalt  }
0x60: {  	_ =	shalt  }
0x61: {  	_ =	shalt  }
0x62: {  	_ =	shalt  }
0x63: {  	_ =	shalt  }
0x64: {  	_ =	shalt  }
0x65: {  	_ =	shalt  }
0x66: {  	_ =	shalt  }
0x67: {  	_ =	shalt  }
0x68: {  	_ =	shalt  }
0x69: {  	_ =	shalt  }
0x6a: {  	_ =	shalt  }
0x6b: {  	_ =	shalt  }
0x6c: {  	_ =	shalt  }
0x6d: {  	_ =	shalt  }
0x6e: {  	_ =	shalt  }
0x6f: {  	_ =	shalt  }
0x70: {  	_ =	shalt  }
0x71: {  	_ =	shalt  }
0x72: {  	_ =	shalt  }
0x73: {  	_ =	shalt  }
0x74: {  	_ =	shalt  }
0x75: {  	_ =	shalt  }
0x76: {  	_ =	shalt  }
0x77: {  	_ =	shalt  }
0x78: {  	_ =	shalt  }
0x79: {  	_ =	shalt  }
0x7a: {  	_ =	shalt  }
0x7b: {  	_ =	shalt  }
0x7c: {  	_ =	shalt  }
0x7d: {  	_ =	shalt  }
0x7e: {  	_ =	shalt  }
0x7f: {  	_ =	shalt  }
0x80: {  	_ =	shalt  }
0x81: {  	_ =	shalt  }
0x82: {  	_ =	shalt  }
0x83: {  	_ =	shalt  }
0x84: {  	_ =	shalt  }
0x85: {  	_ =	shalt  }
0x86: {  	_ =	shalt  }
0x87: {  	_ =	shalt  }
.Lfunc_end0:
.L_simem_size_0:
called_computation_lowered:
.L_overlay_start_0:
0x88: {  	s2 =	sld [smem:$0x3FD9]  }
0x89: {  	s3 =	sld [smem:$0x3FFE];
	_ =	sdelay $0x1  }
0x8a: {  	s1 =	srdreg.scid  }
0x8b: {  	s0 =	sand.u32 $0x1, s1  }
0x8c: {  	s16 =	sshll.u32 s0, $0xA;
	s2 =	sadd.s32 s3, s2  }
0x8d: {  	s2 =	sadd.s32 s2, s16  }
0x8e: {  	[smem:$0x3FC6] =	sst s2  }
0x8f: {  	_ = 	snop  }
0x90: {  	(tm) =	ssettm $0x1  }
0x91: {  	s17 =	sld [smem:$0x3FFB];
	_ =	sdelay $0x3  }
0x92: {  	_ =	strace s17  }
0x93: {  	s2 =	sld [smem:$0x3FFC];
	_ =	sdelay $0x3  }
0x94: {  	_ =	strace s2  }
0x95: {  	s2 =	sld [smem:$0x3FFD];
	_ =	sdelay $0x3  }
0x96: {  	_ =	strace s2  }
0x97: {  	_ =	strace $0x8FFFFFFF  }
0x98: {  	s18 =	sld [smem:$0x3FDB];
	_ =	sdelay $0x1  }
0x99: {  	s19 =	simm.s32 $_scs_section_size  }
0x9a: {  	s4 =	simm.s32 $_size__tile_overlayer_lowered;
	s5 =	simm.s32 $_tile_overlayer_lowered  }
0x9b: {  	s22 =	simm.s32 $0x1BFF;
	s21 =	sshll.u32 s5, $0x1;
	s2 =	sadd.s32 s19, s18  }
0x9c: {  	s6 =	simm.s32 $0x0;
	s20 =	sshll.u32 s4, $0x1;
	s4 =	sadd.s32 s21, s2  }
0x9d: {  	[timem:s6], [sflag:s22] =	dma.local [hbm:s4], s20  }
0x9e: {  	_ =	swait.ge [sflag:s22], s20  }
0x9f: {  	s3 =	ssub.s32 $0x0, s20;
	[sflag:s22] =	ssyncset.done $0x0  }
0xa0: {  	[sflag:s22] =	ssyncadd.s32 s3;
	_ =	sdelay $0x1  }
0xa1: {  	s23 =	simm.s32 $0x1B8B  }
0xa2: {  	_ =	swait.ge [sflag:s23], $0x1  }
0xa3: {  	[sflag:s23] =	ssyncset.done $0x0  }
0xa4: {  	s25 =	simm.s32 $0x1B8E;
	s24 =	sld [smem:$0x3FFE];
	[sflag:s23] =	ssyncadd.s32 $0xFFFFFFFF  }
0xa5: {  	s26 =	simm.s32 $execute0_lowered;
	[smem:$0x3FD2] =	sst s25  }
0xa6: {  	s4 =	sshll.u32 s26, $0x1;
	_ =	strace $0x80000046;
	[dreg:$0x1] =	wrdreg $0xFFFFFFFF  }
0xa7: {  	s28 =	simm.s32 $_size_execute0_lowered;
	s2 =	sadd.s32 s2, s4;
	[dreg:$0x0] =	wrdreg $0x0  }
0xa8: {  	s4 =	sshll.u32 s28, $0x1;
	[dreg:$0x2] =	wrdreg s2  }
0xa9: {  	[dreg:$0x3] =	wrdreg s4  }
0xaa: {  	[dreg:$0x4] =	wrdreg $0xC0  }
0xab: {  	_ =	task [dreg:s6], $0x5FFFF  }
0xac: {  	[dreg:$0x1] =	wrdreg $0xFFFFFFFF  }
0xad: {  	[dreg:$0x0] =	wrdreg $0x60  }
0xae: {  	[dreg:$0x2] =	wrdreg s24  }
0xaf: {  	[dreg:$0x3] =	wrdreg $0x9  }
0xb0: {  	_ =	task.clear_ibuf [dreg:s6], $0x4FFFF;
	_ =	strace $0x90000046  }
0xb1: {  	s29 =	simm.s32 $0x9;
	_ =	strace $0x80000048  }
0xb2: {  	_ =	swait.ge [sflag:s29], $0x1  }
0xb3: {  	[sflag:s29] =	ssyncadd.s32 $0xFFFFFFFF  }
0xb4: {  	_ =	strace $0x90000048  }
0xb5: {  	_ =	sfence  }
0xb6: {  	s30 =	sld [smem:$0x0];
	_ =	sdelay $0x2  }
0xb7: {  	s31 =	sshll.u32 s1, $0xD;
	s1 =	sshrl.u32 s1, $0x2  }
0xb8: {  	s3 =	sand.u32 $0x4000, s31;
	s1 =	sadd.s32 s1, s30  }
0xb9: {  	s0 =	sor.u32 s3, s0;
	s1 =	sshll.u32 s1, $0x11  }
0xba: {  	s0 =	sor.u32 s1, s0  }
0xbb: {  	s0 =	sadd.s32 $0x8F2B, s0  }
0xbc: {  	[sflag:s0] =	ssyncadd.remote.s32 $0x1  }
0xbd: {  	_ =	sfence.sel $0xFFFF  }
0xbe: {  	[dreg:$0x0] =	wrdreg $0xFFFFFFFF;
	(pc) =	sbr.abs _section_cstart, $3  }
0xbf: {  	[dreg:$0x1] =	wrdreg $0xFFFFFFFF  }
0xc0: {  	_ =	task.clear_ibuf [dreg:s6], $0x2FFFF;
	_ =	strace $0x9FFFFFFF  }
0xc1: {  	(tm) =	ssettm $0x7FFFFFFF  }
tec
execute0_lowered:
.L_overlay_start_1:
0x0: {  	(tag) =	ssettag $0x1  }
0x1: {  	s0 =	rddreg [dreg:$0x0]  }
0x2: {  	s2 =	simm.s32 $0x0;
	s3 =	srdreg.scid;
	s1 =	stileid.u32  }
0x3: {  	s9 =	simm.s32 $0x80;
	s10 =	simm.s32 $0xA00;
	s11 =	simm.s32 $0xE00  }
0x4: {  	s12 =	simm.s32 $0xA80;
	s13 =	simm.s32 $0x2E00;
	s14 =	simm.s32 $0xB00  }
0x5: {  	s15 =	simm.s32 $0x4E00;
	s16 =	simm.s32 $0xB80;
	s17 =	simm.s32 $0x6E00  }
0x6: {  	s18 =	simm.s32 $0xC00;
	s19 =	simm.s32 $0x8E00;
	s20 =	simm.s32 $0xC80  }
0x7: {  	s21 =	simm.s32 $0xAE00;
	s22 =	simm.s32 $0xD00;
	s23 =	simm.s32 $0xCE00  }
0x8: {  	s24 =	simm.s32 $0xD80;
	s25 =	simm.s32 $0xEE00;
	s26 =	simm.s32 $0x1  }
0x9: {  	s28 =	simm.s32 $0x0;
	[smem:$0x7FF] =	sst s2;
	s5 =	sand.u32 $0x1, s3  }
0xa: {  	s3 =	sadd.s32 $0xCC00, s0;
	s7 =	sshll.u32 s1, $0x1;
	s6 =	ssub.s32 $0x2, s5  }
0xb: {  	v0 =	vlaneseq.u32;
	s4 =	sadd.s32 $0x800, s0;
	_ =	strace $0x80000047;
	s8 =	sshrl.u32 s6, $0x1  }
0xc: {  	v1 =	vand.u32 $0x1, v0;
	s7 =	sor.u32 s5, s7;
	s5 =	sadd.s32 $0x106C00, s0;
	s31 =	ssub.s32 s6, s8  }
0xd: {  	v1 =	vmul.u32 $0x80, v1;
	s6 =	smul.u32 $0x1870, s7;
	s8 =	simm.s32 $0x2;
	s7 =	smax.u32 s31, $0x1  }
.LBB2_1:
0xe: {  	s29 =	simm.s32 $0x0  }
.LBB2_2:
0xf: {  	s0 =	sshll.u32 s29, $0xA  }
0x10: {  	s0 =	smin.u32 s0, $0x1470  }
0x11: {  	s30 =	sadd.s32 s6, s0;
	s0 =	simm.s32 $0x0  }
0x12: {  	s31 =	sshrl.u32 s30, $0x1;
	v3 =	vor.u32 s0, v0  }
0x13: {  	s1 =	sshrl.u32 s30, $0x8;
	v2 =	vmov s31;
	v3 =	vshrl.u32 v3, $0x1  }
0x14: {  	s1 =	smin.u32 s1, $0x309;
	v4 =	vadd.s32 v2, v3  }
0x15: {  	v3 =	vmov s1;
	v5 =	vshrl.u32 v4, $0x7  }
0x16: {  	v5 =	vsub.s32 v5, v3  }
0x17: {  	v4 =	vand.u32 $0x7F, v4;
	v5 =	vshll.u32 v5, $0x9  }
0x18: {  	s1 =	sshll.u32 s1, $0x6;
	v4 =	vor.u32 v4, v5  }
0x19: {  	s31 =	simm.s32 $0x10;
	s1 =	sadd.s32 s4, s1;
	v4 =	vor.u32 v1, v4  }
0x1a: {  	[tilespmem:s0], [sflag:$0x2] =	stream.linear.gather [hbm4b:s1+s0], $0xA00, $0x38;
	v5 =	vor.u32 s31, v0;
	[tilespmem:$0x10E00] =	vst v63  }
0x1b: {  	_ =	swait.ge [sflag:s8], $0xA00;
	v5 =	vshrl.u32 v5, $0x1  }
0x1c: {  	[sflag:s8] =	ssyncset.done $0x0;
	v5 =	vadd.s32 v2, v5  }
0x1d: {  	[sflag:s8] =	ssyncadd.s32 $0xFFFFF600;
	v6 =	vshrl.u32 v5, $0x7  }
0x1e: {  	v6 =	vsub.s32 v6, v3;
	v4 =	vld.idx.msk [tilespmem:v4+s2+$0x0], $0xffff  }
0x1f: {  	v5 =	vand.u32 $0x7F, v5;
	v6 =	vshll.u32 v6, $0x9  }
0x20: {  	v5 =	vor.u32 v5, v6  }
0x21: {  	v5 =	vor.u32 v1, v5  }
0x22: {  	s1 =	simm.s32 $0x20  }
0x23: {  	v6 =	vor.u32 s1, v0;
	vm0 =	vgt.s32 v4, $0x0  }
0x24: {  	s31 =	simm.s32 $0xA00;
	v6 =	vshrl.u32 v6, $0x1;
	v4 =	vnsel vm0, $0x0, v4  }
0x25: {  	v6 =	vadd.s32 v2, v6;
	[tilespmem:s31+$0x0] =	vst v4  }
0x26: {  	v4 =	vld.idx.msk [tilespmem:v5+s2+$0x0], $0xffff;
	v5 =	vshrl.u32 v6, $0x7  }
0x27: {  	v5 =	vsub.s32 v5, v3  }
0x28: {  	v6 =	vand.u32 $0x7F, v6;
	v5 =	vshll.u32 v5, $0x9  }
0x29: {  	v5 =	vor.u32 v6, v5  }
0x2a: {  	v5 =	vor.u32 v1, v5  }
0x2b: {  	s1 =	simm.s32 $0x30  }
0x2c: {  	s0 =	simm.s32 $0x40;
	v6 =	vor.u32 s1, v0;
	vm0 =	vgt.s32 v4, $0x0  }
.LBB2_3:
0x2d: {  	p0 =	sne.s32 s0, $0x3F0;
	v6 =	vshrl.u32 v6, $0x1;
	v4 =	vnsel vm0, $0x0, v4;
	s31 =	sadd.s32 $0x10, s31  }
0x2e: {  	v6 =	vadd.s32 v2, v6;
	[tilespmem:s31+$0x0] =	vst v4  }
0x2f: {  	v7 =	vshrl.u32 v6, $0x7;
	v4 =	vld.idx.msk [tilespmem:v5+s2+$0x0], $0xffff  }
0x30: {  	v5 =	vsub.s32 v7, v3  }
.Ltmp0:
0x31: {  	v6 =	vand.u32 $0x7F, v6;
	v5 =	vshll.u32 v5, $0x9;
	(pc) =	sbr.rel @p0 .LBB2_3-.Ltmp0, $3  }
0x32: {  	v5 =	vor.u32 v6, v5  }
0x33: {  	v5 =	vor.u32 v1, v5;
	_ =	sdelay $0x1  }
0x34: {  	v6 =	vor.u32 s0, v0;
	s0 =	sadd.s32 $0x10, s0;
	vm0 =	vgt.s32 v4, $0x0  }
0x35: {  	_ = 	snop  }
0x36: {  	v6 =	vshrl.u32 v6, $0x1  }
0x37: {  	v4 =	vnsel vm0, $0x0, v4;
	s0 =	sadd.s32 $0x10, s31;
	v2 =	vadd.s32 v2, v6  }
0x38: {  	[tilespmem:s0+$0x0] =	vst v4;
	v63 =	vshrl.u32 v2, $0x7  }
0x39: {  	v5 =	vld.idx.msk [tilespmem:v5+s2+$0x0], $0xffff;
	v3 =	vsub.s32 v63, v3  }
0x3a: {  	v2 =	vand.u32 $0x7F, v2;
	v3 =	vshll.u32 v3, $0x9  }
0x3b: {  	v2 =	vor.u32 v2, v3  }
0x3c: {  	v2 =	vor.u32 v1, v2;
	_ =	sdelay $0x1  }
0x3d: {  	vm14 =	vgt.s32 v5, $0x0  }
0x3e: {  	s0 =	sadd.s32 $0x10, s0;
	v3 =	vnsel vm14, $0x0, v5  }
0x3f: {  	[tilespmem:s0+$0x0] =	vst v3  }
0x40: {  	v2 =	vld.idx.msk [tilespmem:v2+s2+$0x0], $0xffff;
	_ =	sdelay $0x4  }
0x41: {  	vm15 =	vgt.s32 v2, $0x0  }
0x42: {  	s0 =	sadd.s32 $0x10, s0;
	v2 =	vnsel vm15, $0x0, v2  }
0x43: {  	[tilespmem:s0+$0x0] =	vst v2  }
0x44: {  	[tilespmem:s11], [sflag:$0x1] =	stream.indirect.gather [hbm4b:s3+s9], $0x40, s10, s9, $0xb8;
	[tilespmem:$0x10E00] =	vst v63  }
0x45: {  	_ = 	snop  }
0x46: {  	[tilespmem:s13], [sflag:$0x1] =	stream.indirect.gather [hbm4b:s3+s9], $0x40, s12, s9, $0xb8;
	[tilespmem:$0x10E00] =	vst v63  }
0x47: {  	_ = 	snop  }
0x48: {  	[tilespmem:s15], [sflag:$0x1] =	stream.indirect.gather [hbm4b:s3+s9], $0x40, s14, s9, $0xb8;
	[tilespmem:$0x10E00] =	vst v63  }
0x49: {  	_ = 	snop  }
0x4a: {  	[tilespmem:s17], [sflag:$0x1] =	stream.indirect.gather [hbm4b:s3+s9], $0x40, s16, s9, $0xb8;
	[tilespmem:$0x10E00] =	vst v63  }
0x4b: {  	_ = 	snop  }
0x4c: {  	[tilespmem:s19], [sflag:$0x1] =	stream.indirect.gather [hbm4b:s3+s9], $0x40, s18, s9, $0xb8;
	[tilespmem:$0x10E00] =	vst v63  }
0x4d: {  	_ = 	snop  }
0x4e: {  	[tilespmem:s21], [sflag:$0x1] =	stream.indirect.gather [hbm4b:s3+s9], $0x40, s20, s9, $0xb8;
	[tilespmem:$0x10E00] =	vst v63  }
0x4f: {  	_ = 	snop  }
0x50: {  	[tilespmem:s23], [sflag:$0x1] =	stream.indirect.gather [hbm4b:s3+s9], $0x40, s22, s9, $0xb8;
	[tilespmem:$0x10E00] =	vst v63  }
0x51: {  	_ = 	snop  }
0x52: {  	[tilespmem:s25], [sflag:$0x1] =	stream.indirect.gather [hbm4b:s3+s9], $0x40, s24, s9, $0xb8;
	[tilespmem:$0x10E00] =	vst v63  }
0x53: {  	_ =	swait.ge [sflag:s26], $0x2000  }
0x54: {  	[sflag:s26] =	ssyncset.done $0x0  }
0x55: {  	[sflag:s26] =	ssyncadd.s32 $0xFFFFE000  }
0x56: {  	_ =	swait.ge [sflag:s26], $0x2000  }
0x57: {  	[sflag:s26] =	ssyncset.done $0x0  }
0x58: {  	[sflag:s26] =	ssyncadd.s32 $0xFFFFE000  }
0x59: {  	_ =	swait.ge [sflag:s26], $0x2000  }
0x5a: {  	[sflag:s26] =	ssyncset.done $0x0  }
0x5b: {  	[sflag:s26] =	ssyncadd.s32 $0xFFFFE000  }
0x5c: {  	_ =	swait.ge [sflag:s26], $0x2000  }
0x5d: {  	[sflag:s26] =	ssyncset.done $0x0  }
0x5e: {  	[sflag:s26] =	ssyncadd.s32 $0xFFFFE000  }
0x5f: {  	_ =	swait.ge [sflag:s26], $0x2000  }
0x60: {  	[sflag:s26] =	ssyncset.done $0x0  }
0x61: {  	[sflag:s26] =	ssyncadd.s32 $0xFFFFE000  }
0x62: {  	_ =	swait.ge [sflag:s26], $0x2000  }
0x63: {  	[sflag:s26] =	ssyncset.done $0x0  }
0x64: {  	[sflag:s26] =	ssyncadd.s32 $0xFFFFE000  }
0x65: {  	_ =	swait.ge [sflag:s26], $0x2000  }
0x66: {  	[sflag:s26] =	ssyncset.done $0x0  }
0x67: {  	[sflag:s26] =	ssyncadd.s32 $0xFFFFE000  }
0x68: {  	s31 =	sshll.u32 s30, $0x3;
	s29 =	sadd.s32 $0x1, s29;
	_ =	swait.ge [sflag:s26], $0x2000  }
0x69: {  	p0 =	sne.s32 s29, $0x7;
	s0 =	sand.u32 $0x3FFF80, s31;
	[sflag:s26] =	ssyncset.done $0x0  }
.Ltmp1:
0x6a: {  	s0 =	sadd.s32 s5, s0;
	[sflag:s26] =	ssyncadd.s32 $0xFFFFE000;
	(pc) =	sbr.rel @p0 .LBB2_2-.Ltmp1, $4  }
0x6b: {  	[hbm4b:s0+s2] =	stream.linear.scatter [tilespmem:s11], [sflag:$0x2], $0x10000, $0x38;
	[tilespmem:$0x10E00] =	vst v63  }
0x6c: {  	_ =	swait.ge [sflag:s8], $0x10000  }
0x6d: {  	[sflag:s8] =	ssyncset.done $0x0  }
0x6e: {  	[sflag:s8] =	ssyncadd.s32 $0xFFFF0000  }
0x6f: {  	s28 =	sadd.s32 $0x1, s28  }
0x70: {  	p0 =	sne.s32 s28, s7  }
.Ltmp2:
0x71: {  	_ = 	snop;
	(pc) =	sbr.rel @p0 .LBB2_1-.Ltmp2, $1  }
0x72: {  	_ =	sdelay $0x3  }
0x73: {  	_ =	sfence.sel $0x180000  }
0x74: {  	[bflag:$0x0] =	sbarrier.arrive $0xFFFF  }
0x75: {  	_ =	strace $0x90000047  }
0x76: {  	s0 =	stileid.u32;
	[bflag:$0x2] =	sbarrier.arrive $0xFFFF  }
0x77: {  	p0 =	sne.s32 s0, $0x0;
	s0 =	rddreg [dreg:$0x1]  }
0x78: {  	s0 =	sadd.s32 @!p0 $0x100000, s0  }
0x79: {  	[sflag:s0] =	ssyncadd.tile.s32 @!p0 $0x1;
	_ =	shalt  }
.Lfunc_end2:
_tile_overlayer_lowered:
.L_overlay_start_2:
0x7a: {  	(tag) =	ssettag $0x2  }
0x7b: {  	s0 =	rddreg [dreg:$0x0];
	s2 =	stileid.u32  }
0x7c: {  	s1 =	rddreg [dreg:$0x1];
	p0 =	sne.s32 s2, $0x0  }
0x7d: {  	s3 =	rddreg [dreg:$0x2];
	[bflag:$0x3] =	sbarrier.arrive $0xFFFF;
	s2 =	simm.s32 @!p0 $0x1C02  }
0x7e: {  	[timem:s3], [sflag:s2] =	dma.local @!p0 [hbm:s0], s1  }
0x7f: {  	s0 =	simm.s32 @!p0 $0x2  }
0x80: {  	_ =	swait.ge @!p0 [sflag:s0], s1  }
0x81: {  	s1 =	ssub.s32 @!p0 $0x0, s1;
	[sflag:s0] =	ssyncset.done @!p0 $0x0  }
0x82: {  	[sflag:s0] =	ssyncadd.s32 @!p0 s1  }
0x83: {  	[bflag:$0x3] =	sbarrier.arrive $0xFFFF  }
0x84: {  	_ =	shalt  }

// kernel: kernel.9.cloned.1.call-start
scs
__scs_entry_jumppad:
0x0: {  	(pc) =	sbr.rel $0x88, $3  }
0x1: {  	(tag) =	ssettag $0x0;
	lr =	simm.s32 $0x1  }
0x2: {  	[smem:$0x3F9F] =	sst lr;
	_ =	strace $0xD0000000  }
0x3: {  	_ = 	snop  }
0x4: {  	_ = 	snop  }
0x5: {  	_ = 	snop  }
0x6: {  	_ = 	snop  }
0x7: {  	_ = 	snop  }
__scs_overlays_trampoline_lowered:
0x8: {  	[smem:$0x3FAE] =	sst s0  }
0x9: {  	[smem:$0x3FAF] =	sst s1  }
0xa: {  	[smem:$0x3FB0] =	sst s2  }
0xb: {  	[smem:$0x3FB1] =	sst s3  }
0xc: {  	[smem:$0x3FB2] =	sst s4  }
0xd: {  	[smem:$0x3FB3] =	sst s5  }
0xe: {  	[smem:$0x3FB4] =	sst s6  }
0xf: {  	[smem:$0x3FB5] =	sst s7  }
0x10: {  	[smem:$0x3FB6] =	sst s8  }
0x11: {  	[smem:$0x3FB7] =	sst s9;
	s0 =	simm.s32 @!p0 $0x0  }
0x12: {  	s1 =	sld [smem:$0x3F9D];
	s0 =	simm.s32 @p0 $0x1  }
0x13: {  	[smem:$0x3FB8] =	sst s0;
	s0 =	simm.s32 @!p1 $0x0  }
0x14: {  	s2 =	sld [smem:$0x3F9C];
	s0 =	simm.s32 @p1 $0x1  }
0x15: {  	[smem:$0x3FB9] =	sst s0;
	s0 =	simm.s32 @!p2 $0x0  }
0x16: {  	s3 =	sld [smem:$0x3FDB];
	s0 =	simm.s32 @p2 $0x1  }
0x17: {  	s4 =	simm.s32 $0x1BF5;
	[smem:$0x3FBB] =	sst s0  }
0x18: {  	s0 =	sld [smem:$0x3F9E];
	_ =	swait.ge [sflag:s4], $0x0  }
0x19: {  	s7 =	sld [smem:$0x3F9F]  }
0x1a: {  	s8 =	sadd.s32 $0xFFFFE003, lr  }
0x1b: {  	s9 =	sadd.s32 $0xFFFFFEF7, lr;
	s5 =	simm.s32 $0xFFFFFFFF;
	p2 =	slt.u32 s8, $0xFFFFF086  }
0x1c: {  	p1 =	slt.u32 s9, $0xF7A;
	s5 =	simm.s32 @!p2 $0x0  }
0x1d: {  	s5 =	simm.s32 @p1 $0x1;
	p0 =	seq.s32 s7, s2  }
0x1e: {  	s7 =	smul.u32 @!p0 $0xF7A, s2;
	p2 =	seq.s32 @!p0 s5, $0x0  }
0x1f: {  	s9 =	smul.u32 $0xF7A, s1;
	s8 =	simm.s32 @!p0 $0x1BF5;
	p2 =	por !p2, p0  }
0x20: {  	[sflag:s8] =	ssyncset.s32 @!p0 $0xFFFFF086;
	s6 =	sadd.s32 @!p0 s3, s7;
	s7 =	simm.s32 @!p0 $0x108  }
0x21: {  	s3 =	sadd.s32 s3, s9;
	s6 =	sadd.s32 @!p0 $0x88, s6;
	s7 =	simm.s32 @p2 $0x1082  }
0x22: {  	[simem:s7], [sflag:s8] =	dma.local @!p0 [hbm:s6], $0xF7A  }
0x23: {  	s9 =	sor.u32 $0xD0000000, s2;
	s6 =	simm.s32 $0x108;
	_ =	swait.ge @!p0 [sflag:s8], $0x0  }
0x24: {  	s3 =	sadd.s32 $0x88, s3;
	s6 =	simm.s32 @!p1 $0x1082;
	[sflag:s4] =	ssyncset.s32 $0xFFFFF086  }
0x25: {  	[simem:s6], [sflag:s4] =	dma.local [hbm:s3], $0xF7A  }
0x26: {  	[smem:$0x3F9F] =	sst s1;
	(tag) =	ssettag s2;
	_ =	strace s9  }
0x27: {  	s1 =	sld [smem:$0x3FAF]  }
0x28: {  	s2 =	sld [smem:$0x3FB0]  }
0x29: {  	s4 =	sld [smem:$0x3FB2]  }
0x2a: {  	p0 =	seq.s32 s5, $0x0;
	s5 =	sld [smem:$0x3FB3]  }
0x2b: {  	s6 =	sld [smem:$0x3FB4]  }
0x2c: {  	s7 =	sld [smem:$0x3FB5]  }
0x2d: {  	s3 =	simm.s32 $0x108;
	s8 =	sld [smem:$0x3FB6]  }
0x2e: {  	s3 =	simm.s32 @!p0 $0x1082;
	s9 =	sld [smem:$0x3FB7]  }
0x2f: {  	lr =	sadd.s32 s0, s3;
	s0 =	sld [smem:$0x3FAE]  }
0x30: {  	s3 =	sld [smem:$0x3FB1]  }
0x31: {  	[smem:$0x3FBA] =	sst s10  }
0x32: {  	s10 =	sld [smem:$0x3FB8];
	_ =	sdelay $0x3  }
0x33: {  	p0 =	seq.s32 s10, $0x1;
	s10 =	sld [smem:$0x3FBA];
	_ =	sdelay $0x3  }
0x34: {  	[smem:$0x3FBA] =	sst s10  }
0x35: {  	s10 =	sld [smem:$0x3FB9];
	_ =	sdelay $0x3  }
0x36: {  	p1 =	seq.s32 s10, $0x1;
	s10 =	sld [smem:$0x3FBA];
	_ =	sdelay $0x3  }
0x37: {  	[smem:$0x3FBA] =	sst s10  }
0x38: {  	s10 =	sld [smem:$0x3FBB]  }
0x39: {  	_ = 	snop;
	(pc) =	sbr.ind lr, $3  }
0x3a: {  	_ = 	snop  }
0x3b: {  	_ = 	snop  }
0x3c: {  	p2 =	seq.s32 s10, $0x1;
	s10 =	sld [smem:$0x3FBA]  }
0x3d: {  	_ =	shalt  }
0x3e: {  	_ =	shalt  }
0x3f: {  	_ =	shalt  }
0x40: {  	_ =	shalt  }
0x41: {  	_ =	shalt  }
0x42: {  	_ =	shalt  }
0x43: {  	_ =	shalt  }
0x44: {  	_ =	shalt  }
0x45: {  	_ =	shalt  }
0x46: {  	_ =	shalt  }
0x47: {  	_ =	shalt  }
0x48: {  	_ =	shalt  }
0x49: {  	_ =	shalt  }
0x4a: {  	_ =	shalt  }
0x4b: {  	_ =	shalt  }
0x4c: {  	_ =	shalt  }
0x4d: {  	_ =	shalt  }
0x4e: {  	_ =	shalt  }
0x4f: {  	_ =	shalt  }
0x50: {  	_ =	shalt  }
0x51: {  	_ =	shalt  }
0x52: {  	_ =	shalt  }
0x53: {  	_ =	shalt  }
0x54: {  	_ =	shalt  }
0x55: {  	_ =	shalt  }
0x56: {  	_ =	shalt  }
0x57: {  	_ =	shalt  }
0x58: {  	_ =	shalt  }
0x59: {  	_ =	shalt  }
0x5a: {  	_ =	shalt  }
0x5b: {  	_ =	shalt  }
0x5c: {  	_ =	shalt  }
0x5d: {  	_ =	shalt  }
0x5e: {  	_ =	shalt  }
0x5f: {  	_ =	shalt  }
0x60: {  	_ =	shalt  }
0x61: {  	_ =	shalt  }
0x62: {  	_ =	shalt  }
0x63: {  	_ =	shalt  }
0x64: {  	_ =	shalt  }
0x65: {  	_ =	shalt  }
0x66: {  	_ =	shalt  }
0x67: {  	_ =	shalt  }
0x68: {  	_ =	shalt  }
0x69: {  	_ =	shalt  }
0x6a: {  	_ =	shalt  }
0x6b: {  	_ =	shalt  }
0x6c: {  	_ =	shalt  }
0x6d: {  	_ =	shalt  }
0x6e: {  	_ =	shalt  }
0x6f: {  	_ =	shalt  }
0x70: {  	_ =	shalt  }
0x71: {  	_ =	shalt  }
0x72: {  	_ =	shalt  }
0x73: {  	_ =	shalt  }
0x74: {  	_ =	shalt  }
0x75: {  	_ =	shalt  }
0x76: {  	_ =	shalt  }
0x77: {  	_ =	shalt  }
0x78: {  	_ =	shalt  }
0x79: {  	_ =	shalt  }
0x7a: {  	_ =	shalt  }
0x7b: {  	_ =	shalt  }
0x7c: {  	_ =	shalt  }
0x7d: {  	_ =	shalt  }
0x7e: {  	_ =	shalt  }
0x7f: {  	_ =	shalt  }
0x80: {  	_ =	shalt  }
0x81: {  	_ =	shalt  }
0x82: {  	_ =	shalt  }
0x83: {  	_ =	shalt  }
0x84: {  	_ =	shalt  }
0x85: {  	_ =	shalt  }
0x86: {  	_ =	shalt  }
0x87: {  	_ =	shalt  }
.Lfunc_end0:
.L_simem_size_0:
called_computation.1_lowered:
.L_overlay_start_0:
0x88: {  	s2 =	sld [smem:$0x3FD9]  }
0x89: {  	s3 =	sld [smem:$0x3FFE];
	_ =	sdelay $0x1  }
0x8a: {  	s1 =	srdreg.scid  }
0x8b: {  	s0 =	sand.u32 $0x1, s1  }
0x8c: {  	s17 =	sshll.u32 s0, $0xA;
	s2 =	sadd.s32 s3, s2  }
0x8d: {  	s2 =	sadd.s32 s2, s17  }
0x8e: {  	[smem:$0x3FC6] =	sst s2  }
0x8f: {  	_ = 	snop  }
0x90: {  	(tm) =	ssettm $0x1  }
0x91: {  	s18 =	sld [smem:$0x3FFB];
	_ =	sdelay $0x3  }
0x92: {  	_ =	strace s18  }
0x93: {  	s2 =	sld [smem:$0x3FFC];
	_ =	sdelay $0x3  }
0x94: {  	_ =	strace s2  }
0x95: {  	s2 =	sld [smem:$0x3FFD];
	_ =	sdelay $0x3  }
0x96: {  	_ =	strace s2  }
0x97: {  	_ =	strace $0x8FFFFFFF  }
0x98: {  	s19 =	sld [smem:$0x3FDB];
	_ =	sdelay $0x1  }
0x99: {  	s20 =	simm.s32 $_scs_section_size  }
0x9a: {  	s4 =	simm.s32 $_size__tile_overlayer_lowered;
	s5 =	simm.s32 $_tile_overlayer_lowered  }
0x9b: {  	s6 =	simm.s32 $0x1BFF;
	s21 =	sshll.u32 s5, $0x1;
	s3 =	sadd.s32 s20, s19  }
0x9c: {  	s22 =	simm.s32 $0x0;
	s4 =	sshll.u32 s4, $0x1;
	s5 =	sadd.s32 s21, s3  }
0x9d: {  	[timem:s22], [sflag:s6] =	dma.local [hbm:s5], s4  }
0x9e: {  	_ =	swait.ge [sflag:s6], s4  }
0x9f: {  	s4 =	ssub.s32 $0x0, s4;
	[sflag:s6] =	ssyncset.done $0x0  }
0xa0: {  	[sflag:s6] =	ssyncadd.s32 s4;
	_ =	sdelay $0x1  }
0xa1: {  	s23 =	simm.s32 $0x1B8B  }
0xa2: {  	_ =	swait.ge [sflag:s23], $0x1  }
0xa3: {  	[sflag:s23] =	ssyncset.done $0x0  }
0xa4: {  	[sflag:s23] =	ssyncadd.s32 $0xFFFFFFFF  }
0xa5: {  	s4 =	sld [smem:$0x0]  }
0xa6: {  	s5 =	sand.u32 $0xFFFFFFFE, s1  }
0xa7: {  	p0 =	sne.s32 s1, s5  }
0xa8: {  	s5 =	sshll.u32 @p0 s5, $0xE  }
0xa9: {  	s5 =	sadd.s32 @p0 $0x11B8D, s5;
	s6 =	sshll.u32 @p0 s4, $0x11  }
0xaa: {  	s5 =	sor.u32 @p0 s6, s5  }
0xab: {  	[sflag:s5] =	ssyncadd.remote.s32 @p0 $0x1;
	_ =	sdelay $0x1  }
0xac: {  	s5 =	simm.s32 @p0 $0x1B8D  }
0xad: {  	_ =	swait.eq @p0 [sflag:s5], $0x1  }
0xae: {  	[sflag:s5] =	ssyncadd.s32 @p0 $0xFFFFFFFF  }
0xaf: {  	s6 =	sshll.u32 @!p0 s1, $0xE  }
0xb0: {  	s6 =	sor.u32 @!p0 $0x4000, s6;
	s5 =	simm.s32 @!p0 $0x1B8D  }
0xb1: {  	s4 =	sshll.u32 @!p0 s4, $0x11;
	s6 =	sadd.s32 @!p0 $0x11B8D, s6;
	_ =	swait.eq @!p0 [sflag:s5], $0x1  }
0xb2: {  	s4 =	sor.u32 @!p0 s4, s6;
	[sflag:s5] =	ssyncadd.s32 @!p0 $0xFFFFFFFF  }
0xb3: {  	s25 =	simm.s32 $0x1B8E;
	s24 =	sld [smem:$0x3FFE];
	[sflag:s4] =	ssyncadd.remote.s32 @!p0 $0x1  }
0xb4: {  	s26 =	simm.s32 $execute0_lowered;
	[smem:$0x3FD2] =	sst s25  }
0xb5: {  	s5 =	sshll.u32 s26, $0x1;
	_ =	strace $0x80000049;
	[dreg:$0x1] =	wrdreg $0xFFFFFFFF  }
0xb6: {  	s28 =	simm.s32 $_size_execute0_lowered;
	s3 =	sadd.s32 s3, s5;
	[dreg:$0x0] =	wrdreg $0x0  }
0xb7: {  	s5 =	sshll.u32 s28, $0x1;
	[dreg:$0x2] =	wrdreg s3  }
0xb8: {  	[dreg:$0x3] =	wrdreg s5  }
0xb9: {  	[dreg:$0x4] =	wrdreg $0xC0  }
0xba: {  	_ =	task [dreg:s22], $0x5FFFF  }
0xbb: {  	[dreg:$0x1] =	wrdreg $0xFFFFFFFF  }
0xbc: {  	[dreg:$0x0] =	wrdreg $0x60  }
0xbd: {  	[dreg:$0x2] =	wrdreg s24  }
0xbe: {  	[dreg:$0x3] =	wrdreg $0xA  }
0xbf: {  	_ =	task.clear_ibuf [dreg:s22], $0x4FFFF;
	_ =	strace $0x90000049  }
0xc0: {  	s29 =	simm.s32 $0xA;
	_ =	strace $0x8000004B  }
0xc1: {  	_ =	swait.ge [sflag:s29], $0x1  }
0xc2: {  	[sflag:s29] =	ssyncadd.s32 $0xFFFFFFFF  }
0xc3: {  	_ =	strace $0x9000004B  }
0xc4: {  	_ =	sfence  }
0xc5: {  	s30 =	sld [smem:$0x0];
	_ =	sdelay $0x2  }
0xc6: {  	s31 =	sshll.u32 s1, $0xD;
	s1 =	sshrl.u32 s1, $0x2  }
0xc7: {  	s4 =	sand.u32 $0x4000, s31;
	s1 =	sadd.s32 s1, s30  }
0xc8: {  	s0 =	sor.u32 s4, s0;
	s1 =	sshll.u32 s1, $0x11  }
0xc9: {  	s0 =	sor.u32 s1, s0  }
0xca: {  	s0 =	sadd.s32 $0x8F2B, s0  }
0xcb: {  	[sflag:s0] =	ssyncadd.remote.s32 $0x1  }
0xcc: {  	_ =	sfence.sel $0xFFFF  }
0xcd: {  	[dreg:$0x0] =	wrdreg $0xFFFFFFFF;
	(pc) =	sbr.abs _section_cstart, $3  }
0xce: {  	[dreg:$0x1] =	wrdreg $0xFFFFFFFF  }
0xcf: {  	_ =	task.clear_ibuf [dreg:s22], $0x2FFFF;
	_ =	strace $0x9FFFFFFF  }
0xd0: {  	(tm) =	ssettm $0x7FFFFFFF  }
0xd1: {  	_ =	shalt  }
tec
execute0_lowered:
.L_overlay_start_1:
0x0: {  	(tag) =	ssettag $0x1  }
0x1: {  	s0 =	rddreg [dreg:$0x0]  }
0x2: {  	s2 =	simm.s32 $0x0;
	s3 =	srdreg.scid;
	s1 =	stileid.u32  }
0x3: {  	s9 =	simm.s32 $0x80;
	s10 =	simm.s32 $0xA00;
	s11 =	simm.s32 $0xE00  }
0x4: {  	s12 =	simm.s32 $0xA80;
	s13 =	simm.s32 $0x2E00;
	s14 =	simm.s32 $0xB00  }
0x5: {  	s15 =	simm.s32 $0x4E00;
	s16 =	simm.s32 $0xB80;
	s17 =	simm.s32 $0x6E00  }
0x6: {  	s18 =	simm.s32 $0xC00;
	s19 =	simm.s32 $0x8E00;
	s20 =	simm.s32 $0xC80  }
0x7: {  	s21 =	simm.s32 $0xAE00;
	s22 =	simm.s32 $0xD00;
	s23 =	simm.s32 $0xCE00  }
0x8: {  	s24 =	simm.s32 $0xD80;
	s25 =	simm.s32 $0xEE00;
	s26 =	simm.s32 $0x1  }
0x9: {  	v0 =	vlaneseq.u32;
	s28 =	simm.s32 $0x0;
	[smem:$0x7FF] =	sst s2;
	s5 =	sand.u32 $0x1, s3  }
0xa: {  	s3 =	sadd.s32 $0x28DC00, s0;
	s7 =	sshll.u32 s1, $0x1;
	v1 =	vand.u32 $0x1, v0;
	s6 =	ssub.s32 $0x2, s5  }
0xb: {  	s4 =	sadd.s32 $0x800, s0;
	_ =	strace $0x8000004A;
	v1 =	vmul.u32 $0x80, v1;
	s8 =	sshrl.u32 s6, $0x1  }
0xc: {  	s7 =	sor.u32 s5, s7;
	s5 =	sadd.s32 $0x387C00, s0;
	s31 =	ssub.s32 s6, s8  }
0xd: {  	s6 =	smul.u32 $0x1870, s7;
	s8 =	simm.s32 $0x2;
	v1 =	vor.u32 $0x100, v1;
	s7 =	smax.u32 s31, $0x1  }
.LBB2_1:
0xe: {  	s29 =	simm.s32 $0x0  }
.LBB2_2:
0xf: {  	s0 =	sshll.u32 s29, $0xA  }
0x10: {  	s0 =	smin.u32 s0, $0x1470  }
0x11: {  	s30 =	sadd.s32 s6, s0;
	s0 =	simm.s32 $0x0  }
0x12: {  	s31 =	sshrl.u32 s30, $0x1;
	v3 =	vor.u32 s0, v0  }
0x13: {  	s1 =	sshrl.u32 s30, $0x8;
	v2 =	vmov s31;
	v3 =	vshrl.u32 v3, $0x1  }
0x14: {  	s1 =	smin.u32 s1, $0x309;
	v4 =	vadd.s32 v2, v3  }
0x15: {  	v3 =	vmov s1;
	v5 =	vshrl.u32 v4, $0x7  }
0x16: {  	v5 =	vsub.s32 v5, v3  }
0x17: {  	v4 =	vand.u32 $0x7F, v4;
	v5 =	vshll.u32 v5, $0x9  }
0x18: {  	s1 =	sshll.u32 s1, $0x6;
	v4 =	vor.u32 v4, v5  }
0x19: {  	s1 =	sadd.s32 s4, s1;
	v4 =	vor.u32 v1, v4  }
0x1a: {  	[tilespmem:s0], [sflag:$0x2] =	stream.linear.gather [hbm4b:s1+s0], $0xA00, $0x38;
	[tilespmem:$0x10E00] =	vst v63  }
0x1b: {  	_ =	swait.ge [sflag:s8], $0xA00  }
0x1c: {  	s1 =	simm.s32 $0x10;
	[sflag:s8] =	ssyncset.done $0x0  }
0x1d: {  	v5 =	vor.u32 s1, v0;
	[sflag:s8] =	ssyncadd.s32 $0xFFFFF600  }
0x1e: {  	v5 =	vshrl.u32 v5, $0x1;
	v4 =	vld.idx.msk [tilespmem:v4+s2+$0x0], $0xffff  }
0x1f: {  	v5 =	vadd.s32 v2, v5  }
0x20: {  	v6 =	vshrl.u32 v5, $0x7  }
0x21: {  	v6 =	vsub.s32 v6, v3  }
0x22: {  	v5 =	vand.u32 $0x7F, v5;
	v6 =	vshll.u32 v6, $0x9  }
0x23: {  	v7 =	vadd.s32 $0xFFFE0C00, v4;
	v4 =	vor.u32 v5, v6  }
0x24: {  	v4 =	vor.u32 v1, v4;
	_ =	sdelay $0x1  }
0x25: {  	s1 =	simm.s32 $0x20;
	vm0 =	vgt.s32 v7, $0x0  }
0x26: {  	s31 =	simm.s32 $0xA00;
	s0 =	simm.s32 $0x30;
	v5 =	vor.u32 s1, v0;
	v6 =	vnsel vm0, $0x0, v7  }
.LBB2_3:
0x27: {  	p0 =	sne.s32 s0, $0x3F0;
	v5 =	vshrl.u32 v5, $0x1;
	[tilespmem:s31+$0x0] =	vst v6  }
0x28: {  	v5 =	vadd.s32 v2, v5;
	v6 =	vld.idx.msk [tilespmem:v4+s2+$0x0], $0xffff  }
0x29: {  	v4 =	vshrl.u32 v5, $0x7  }
0x2a: {  	v4 =	vsub.s32 v4, v3  }
0x2b: {  	v5 =	vand.u32 $0x7F, v5;
	v4 =	vshll.u32 v4, $0x9  }
.Ltmp0:
0x2c: {  	v4 =	vor.u32 v5, v4;
	(pc) =	sbr.rel @p0 .LBB2_3-.Ltmp0, $4  }
0x2d: {  	v4 =	vor.u32 v1, v4  }
0x2e: {  	v6 =	vadd.s32 $0xFFFE0C00, v6  }
0x2f: {  	vm0 =	vgt.s32 v6, $0x0  }
0x30: {  	s31 =	sadd.s32 $0x10, s31;
	v5 =	vor.u32 s0, v0;
	s0 =	sadd.s32 $0x10, s0;
	v6 =	vnsel vm0, $0x0, v6  }
0x31: {  	_ =	sdelay $0x1  }
0x32: {  	v5 =	vshrl.u32 v5, $0x1  }
0x33: {  	[tilespmem:s31+$0x0] =	vst v6;
	v2 =	vadd.s32 v2, v5  }
0x34: {  	v4 =	vld.idx.msk [tilespmem:v4+s2+$0x0], $0xffff;
	v5 =	vshrl.u32 v2, $0x7  }
0x35: {  	v3 =	vsub.s32 v5, v3  }
0x36: {  	v2 =	vand.u32 $0x7F, v2;
	v3 =	vshll.u32 v3, $0x9  }
0x37: {  	v2 =	vor.u32 v2, v3  }
0x38: {  	v2 =	vor.u32 v1, v2  }
0x39: {  	v3 =	vadd.s32 $0xFFFE0C00, v4  }
0x3a: {  	vm0 =	vgt.s32 v3, $0x0  }
0x3b: {  	s0 =	sadd.s32 $0x10, s31;
	v3 =	vnsel vm0, $0x0, v3  }
0x3c: {  	[tilespmem:s0+$0x0] =	vst v3  }
0x3d: {  	v2 =	vld.idx.msk [tilespmem:v2+s2+$0x0], $0xffff;
	_ =	sdelay $0x4  }
0x3e: {  	v2 =	vadd.s32 $0xFFFE0C00, v2  }
0x3f: {  	vm15 =	vgt.s32 v2, $0x0  }
0x40: {  	s0 =	sadd.s32 $0x10, s0;
	v2 =	vnsel vm15, $0x0, v2  }
0x41: {  	[tilespmem:s0+$0x0] =	vst v2  }
0x42: {  	[tilespmem:s11], [sflag:$0x1] =	stream.indirect.gather [hbm4b:s3+s9], $0x40, s10, s9, $0xb8;
	[tilespmem:$0x10E00] =	vst v63  }
0x43: {  	_ = 	snop  }
0x44: {  	[tilespmem:s13], [sflag:$0x1] =	stream.indirect.gather [hbm4b:s3+s9], $0x40, s12, s9, $0xb8;
	[tilespmem:$0x10E00] =	vst v63  }
0x45: {  	_ = 	snop  }
0x46: {  	[tilespmem:s15], [sflag:$0x1] =	stream.indirect.gather [hbm4b:s3+s9], $0x40, s14, s9, $0xb8;
	[tilespmem:$0x10E00] =	vst v63  }
0x47: {  	_ = 	snop  }
0x48: {  	[tilespmem:s17], [sflag:$0x1] =	stream.indirect.gather [hbm4b:s3+s9], $0x40, s16, s9, $0xb8;
	[tilespmem:$0x10E00] =	vst v63  }
0x49: {  	_ = 	snop  }
0x4a: {  	[tilespmem:s19], [sflag:$0x1] =	stream.indirect.gather [hbm4b:s3+s9], $0x40, s18, s9, $0xb8;
	[tilespmem:$0x10E00] =	vst v63  }
0x4b: {  	_ = 	snop  }
0x4c: {  	[tilespmem:s21], [sflag:$0x1] =	stream.indirect.gather [hbm4b:s3+s9], $0x40, s20, s9, $0xb8;
	[tilespmem:$0x10E00] =	vst v63  }
0x4d: {  	_ = 	snop  }
0x4e: {  	[tilespmem:s23], [sflag:$0x1] =	stream.indirect.gather [hbm4b:s3+s9], $0x40, s22, s9, $0xb8;
	[tilespmem:$0x10E00] =	vst v63  }
0x4f: {  	_ = 	snop  }
0x50: {  	[tilespmem:s25], [sflag:$0x1] =	stream.indirect.gather [hbm4b:s3+s9], $0x40, s24, s9, $0xb8;
	[tilespmem:$0x10E00] =	vst v63  }
0x51: {  	_ =	swait.ge [sflag:s26], $0x2000  }
0x52: {  	[sflag:s26] =	ssyncset.done $0x0  }
0x53: {  	[sflag:s26] =	ssyncadd.s32 $0xFFFFE000  }
0x54: {  	_ =	swait.ge [sflag:s26], $0x2000  }
0x55: {  	[sflag:s26] =	ssyncset.done $0x0  }
0x56: {  	[sflag:s26] =	ssyncadd.s32 $0xFFFFE000  }
0x57: {  	_ =	swait.ge [sflag:s26], $0x2000  }
0x58: {  	[sflag:s26] =	ssyncset.done $0x0  }
0x59: {  	[sflag:s26] =	ssyncadd.s32 $0xFFFFE000  }
0x5a: {  	_ =	swait.ge [sflag:s26], $0x2000  }
0x5b: {  	[sflag:s26] =	ssyncset.done $0x0  }
0x5c: {  	[sflag:s26] =	ssyncadd.s32 $0xFFFFE000  }
0x5d: {  	_ =	swait.ge [sflag:s26], $0x2000  }
0x5e: {  	[sflag:s26] =	ssyncset.done $0x0  }
0x5f: {  	[sflag:s26] =	ssyncadd.s32 $0xFFFFE000  }
0x60: {  	_ =	swait.ge [sflag:s26], $0x2000  }
0x61: {  	[sflag:s26] =	ssyncset.done $0x0  }
0x62: {  	[sflag:s26] =	ssyncadd.s32 $0xFFFFE000  }
0x63: {  	_ =	swait.ge [sflag:s26], $0x2000  }
0x64: {  	[sflag:s26] =	ssyncset.done $0x0  }
0x65: {  	[sflag:s26] =	ssyncadd.s32 $0xFFFFE000  }
0x66: {  	s31 =	sshll.u32 s30, $0x3;
	s29 =	sadd.s32 $0x1, s29;
	_ =	swait.ge [sflag:s26], $0x2000  }
0x67: {  	p0 =	sne.s32 s29, $0x7;
	s0 =	sand.u32 $0x3FFF80, s31;
	[sflag:s26] =	ssyncset.done $0x0  }
.Ltmp1:
0x68: {  	s0 =	sadd.s32 s5, s0;
	[sflag:s26] =	ssyncadd.s32 $0xFFFFE000;
	(pc) =	sbr.rel @p0 .LBB2_2-.Ltmp1, $4  }
0x69: {  	[hbm4b:s0+s2] =	stream.linear.scatter [tilespmem:s11], [sflag:$0x2], $0x10000, $0x38;
	[tilespmem:$0x10E00] =	vst v63  }
0x6a: {  	_ =	swait.ge [sflag:s8], $0x10000  }
0x6b: {  	[sflag:s8] =	ssyncset.done $0x0  }
0x6c: {  	[sflag:s8] =	ssyncadd.s32 $0xFFFF0000  }
0x6d: {  	s28 =	sadd.s32 $0x1, s28  }
0x6e: {  	p0 =	sne.s32 s28, s7  }
.Ltmp2:
0x6f: {  	_ = 	snop;
	(pc) =	sbr.rel @p0 .LBB2_1-.Ltmp2, $1  }
0x70: {  	_ =	sdelay $0x3  }
0x71: {  	_ =	sfence.sel $0x180000  }
0x72: {  	[bflag:$0x0] =	sbarrier.arrive $0xFFFF  }
0x73: {  	_ =	strace $0x9000004A  }
0x74: {  	s0 =	stileid.u32;
	[bflag:$0x2] =	sbarrier.arrive $0xFFFF  }
0x75: {  	p0 =	sne.s32 s0, $0x0;
	s0 =	rddreg [dreg:$0x1]  }
0x76: {  	s0 =	sadd.s32 @!p0 $0x100000, s0  }
0x77: {  	[sflag:s0] =	ssyncadd.tile.s32 @!p0 $0x1;
	_ =	shalt  }
.Lfunc_end2:
_tile_overlayer_lowered:
.L_overlay_start_2:
0x78: {  	(tag) =	ssettag $0x2  }
0x79: {  	s0 =	rddreg [dreg:$0x0];
	s2 =	stileid.u32  }
0x7a: {  	s1 =	rddreg [dreg:$0x1];
	p0 =	sne.s32 s2, $0x0  }
0x7b: {  	s3 =	rddreg [dreg:$0x2];
	[bflag:$0x3] =	sbarrier.arrive $0xFFFF;
	s2 =	simm.s32 @!p0 $0x1C02  }
0x7c: {  	[timem:s3], [sflag:s2] =	dma.local @!p0 [hbm:s0], s1  }
0x7d: {  	s0 =	simm.s32 @!p0 $0x2  }
0x7e: {  	_ =	swait.ge @!p0 [sflag:s0], s1  }
0x7f: {  	s1 =	ssub.s32 @!p0 $0x0, s1;
	[sflag:s0] =	ssyncset.done @!p0 $0x0  }
0x80: {  	[sflag:s0] =	ssyncadd.s32 @!p0 s1  }
0x81: {  	[bflag:$0x3] =	sbarrier.arrive $0xFFFF  }
0x82: {  	_ =	shalt  }

</sc_bundles>
